<compile_context>
chip_gen: v7x
topology: tpu7x:2x2x1
jax: 0.10.2.dev20260603
libtpu: 0.0.44.dev20260713+nightly
codegen_flags: <defaults>
</compile_context>

<pallas_src>
import jax
import jax.numpy as jnp
from jax import lax
from jax.experimental import pallas as pl
from jax.experimental.pallas import tpu as pltpu
from jax.experimental.pallas import tpu_sc as plsc

N = 100000
V = 20000
D_IN = 4
H = 256
CS = 96
NCLS = 19

N_PAD = 102400
V_PAD = 20480
BN0 = 4096
BN4 = 4096
BV = 1024

NC, NS = 2, 16
T1 = N_PAD // NS
C1 = T1 // 128
T3 = N_PAD // (NC * NS)
C3 = T3 // 128
VROWS = V_PAD // NS

_mesh = plsc.VectorSubcoreMesh(core_axis_name="c", subcore_axis_name="s")
_sc_params = pltpu.CompilerParams(use_tc_tiling_on_sc=False,
                                  needs_layout_passes=False)


def _s0_body(xt_ref, w0_ref, b0_ref, h_ref):
    i = pl.program_id(0)
    h = lax.dot_general(xt_ref[...], w0_ref[...],
                        (((0,), (0,)), ((), ())),
                        preferred_element_type=jnp.float32)
    h = jnp.maximum(h + b0_ref[...], 0.0)
    rows = i * BN0 + lax.broadcasted_iota(jnp.int32, (BN0, 1), 0)
    h = jnp.where(rows < N, h, 0.0)
    h_ref[0] = h[:, :128]
    h_ref[1] = h[:, 128:]


def _s0(xt, w0, b0r):
    return pl.pallas_call(
        _s0_body,
        grid=(N_PAD // BN0,),
        in_specs=[
            pl.BlockSpec((D_IN, BN0), lambda i: (0, i)),
            pl.BlockSpec((D_IN, H), lambda i: (0, 0)),
            pl.BlockSpec((1, H), lambda i: (0, 0)),
        ],
        out_specs=pl.BlockSpec((2, BN0, 128), lambda i: (0, i, 0)),
        out_shape=jax.ShapeDtypeStruct((2, N_PAD, 128), jnp.float32),
    )(xt, w0, b0r)


def _scnt_body(idx_hbm, cntp_hbm, idxbuf, cntbuf):
    c = lax.axis_index("c")
    s = lax.axis_index("s")
    wid = s * NC + c
    zero16 = jnp.zeros((16,), jnp.float32)
    ones = jnp.ones((16,), jnp.float32)
    iota = lax.iota(jnp.int32, 16)

    def _zcnt(i, _):
        cntbuf[pl.ds(i * 16, 16)] = zero16
        return 0
    lax.fori_loop(0, V_PAD // 16, _zcnt, 0)
    pltpu.sync_copy(idx_hbm.at[pl.ds(wid * C3, C3)], idxbuf)

    def _cchunk(j, _):
        def _cvec(k, _):
            gbase = wid * T3 + j * 128 + k * 16
            iv = idxbuf[j, pl.ds(k * 16, 16)]
            mask = (gbase + iota) < N
            plsc.addupdate_scatter(cntbuf, [iv], ones, mask=mask)
            return 0
        lax.fori_loop(0, 8, _cvec, 0)
        return 0
    lax.fori_loop(0, C3, _cchunk, 0)
    pltpu.sync_copy(cntbuf, cntp_hbm.at[wid])


def _scnt(idx2d):
    return pl.kernel(
        _scnt_body,
        out_type=jax.ShapeDtypeStruct((NC * NS, V_PAD), jnp.float32),
        mesh=_mesh,
        scratch_types=[
            pltpu.VMEM((C3, 128), jnp.int32),
            pltpu.VMEM((V_PAD,), jnp.float32),
        ],
        compiler_params=_sc_params,
    )(idx2d)


def _s1_body(h_hbm, idx_hbm, vsum_hbm,
             acc, hbuf0, hbuf1, idxbuf, zbuf, rsem0, rsem1):
    c = lax.axis_index("c")
    s = lax.axis_index("s")
    zero16 = jnp.zeros((16,), jnp.float32)
    bufs = (hbuf0, hbuf1)
    sems = (rsem0, rsem1)

    def _zrow(i, _):
        for k in range(4):
            zbuf[i, pl.ds(k * 16, 16)] = zero16
        return 0
    lax.fori_loop(0, 64, _zrow, 0)

    pltpu.sync_copy(idx_hbm.at[pl.ds(s * C1, C1)], idxbuf)

    for p in range(2):
        colbase = p * 64

        def _hsrc(j):
            return h_hbm.at[c, pl.ds(s * T1 + j * 128, 128),
                            pl.ds(colbase, 64)]

        def _zacc(i, _):
            pltpu.sync_copy(zbuf, acc.at[pl.ds(s * VROWS + i * 64, 64), :])
            return 0
        lax.fori_loop(0, VROWS // 64, _zacc, 0)
        plsc.subcore_barrier()

        pltpu.async_copy(_hsrc(0), hbuf0, rsem0)
        pltpu.async_copy(_hsrc(1), hbuf1, rsem1)

        def _pipe(j2, _):
            for b in range(2):
                j = 2 * j2 + b
                pltpu.make_async_copy(_hsrc(j), bufs[b], sems[b]).wait()
                pltpu.sync_copy(bufs[b], acc.at[idxbuf.at[j]], add=True)

                @pl.when(j + 2 < C1)
                def _():
                    pltpu.async_copy(_hsrc(j + 2), bufs[b], sems[b])
            return 0
        lax.fori_loop(0, C1 // 2, _pipe, 0)
        plsc.subcore_barrier()

        pltpu.sync_copy(
            acc.at[pl.ds(s * VROWS, VROWS), :],
            vsum_hbm.at[c, pl.ds(s * VROWS, VROWS), pl.ds(colbase, 64)])


def _s1(h3, idx2d):
    return pl.kernel(
        _s1_body,
        out_type=jax.ShapeDtypeStruct((2, V_PAD, 128), jnp.float32),
        mesh=_mesh,
        scratch_types=[
            pltpu.VMEM_SHARED((V_PAD, 64), jnp.float32),
            pltpu.VMEM((128, 64), jnp.float32),
            pltpu.VMEM((128, 64), jnp.float32),
            pltpu.VMEM((C1, 128), jnp.int32),
            pltpu.VMEM((64, 64), jnp.float32),
            pltpu.SemaphoreType.DMA,
            pltpu.SemaphoreType.DMA,
        ],
        compiler_params=_sc_params,
    )(h3, idx2d)


def _s2_body(vsum_ref, cntp_ref, wv_ref, bv_ref, w1_ref, voxp_ref):
    i = pl.program_id(0)
    cnt = jnp.sum(cntp_ref[:, pl.ds(i * BV, BV)], axis=0)[:, None]
    vs = jnp.concatenate([vsum_ref[0], vsum_ref[1]], axis=1)
    mean = vs / jnp.maximum(cnt, 1.0)
    vox = jnp.dot(mean, wv_ref[...], preferred_element_type=jnp.float32)
    vox = jnp.maximum(vox + bv_ref[...], 0.0)
    voxp = jnp.dot(vox, w1_ref[...], preferred_element_type=jnp.float32)
    voxp_ref[...] = jnp.concatenate(
        [voxp, jnp.zeros((BV, 128 - CS), jnp.float32)], axis=1)


def _s2(vsum, cntp, wv, bvr, w1):
    return pl.pallas_call(
        _s2_body,
        grid=(V_PAD // BV,),
        in_specs=[
            pl.BlockSpec((2, BV, 128), lambda i: (0, i, 0)),
            pl.BlockSpec((NC * NS, V_PAD), lambda i: (0, 0)),
            pl.BlockSpec((H, H), lambda i: (0, 0)),
            pl.BlockSpec((1, H), lambda i: (0, 0)),
            pl.BlockSpec((H, CS), lambda i: (0, 0)),
        ],
        out_specs=pl.BlockSpec((BV, 128), lambda i: (i, 0)),
        out_shape=jax.ShapeDtypeStruct((V_PAD, 128), jnp.float32),
    )(vsum, cntp, wv, bvr, w1)


_NB3 = 4


def _s3_body(voxp_hbm, idx_hbm, voxg_hbm, idxbuf,
             gbuf0, gbuf1, gbuf2, gbuf3,
             gsem0, gsem1, gsem2, gsem3,
             wsem0, wsem1, wsem2, wsem3):
    c = lax.axis_index("c")
    s = lax.axis_index("s")
    wid = s * NC + c
    bufs = (gbuf0, gbuf1, gbuf2, gbuf3)
    gsems = (gsem0, gsem1, gsem2, gsem3)
    wsems = (wsem0, wsem1, wsem2, wsem3)
    pltpu.sync_copy(idx_hbm.at[pl.ds(wid * C3, C3)], idxbuf)

    def _dst(j):
        return voxg_hbm.at[pl.ds(wid * T3 + j * 128, 128), :]

    for b in range(_NB3):
        pltpu.async_copy(voxp_hbm.at[idxbuf.at[b]], bufs[b], gsems[b])

    def _pipe(j2, _):
        for b in range(_NB3):
            j = _NB3 * j2 + b

            @pl.when(j < C3)
            def _():
                pltpu.make_async_copy(
                    voxp_hbm.at[idxbuf.at[j]], bufs[b], gsems[b]).wait()
                pltpu.async_copy(bufs[b], _dst(j), wsems[b])

                @pl.when(j + _NB3 < C3)
                def _():
                    pltpu.make_async_copy(bufs[b], _dst(j), wsems[b]).wait()
                    pltpu.async_copy(
                        voxp_hbm.at[idxbuf.at[j + _NB3]], bufs[b], gsems[b])
        return 0
    lax.fori_loop(0, (C3 + _NB3 - 1) // _NB3, _pipe, 0)

    for b in range(_NB3):
        j_last = ((C3 - 1 - b) // _NB3) * _NB3 + b
        pltpu.make_async_copy(bufs[b], _dst(j_last), wsems[b]).wait()


def _s3(voxp, idx2d):
    return pl.kernel(
        _s3_body,
        out_type=jax.ShapeDtypeStruct((N_PAD, 128), jnp.float32),
        mesh=_mesh,
        scratch_types=[
            pltpu.VMEM((C3, 128), jnp.int32),
            pltpu.VMEM((128, 128), jnp.float32),
            pltpu.VMEM((128, 128), jnp.float32),
            pltpu.VMEM((128, 128), jnp.float32),
            pltpu.VMEM((128, 128), jnp.float32),
            pltpu.SemaphoreType.DMA,
            pltpu.SemaphoreType.DMA,
            pltpu.SemaphoreType.DMA,
            pltpu.SemaphoreType.DMA,
            pltpu.SemaphoreType.DMA,
            pltpu.SemaphoreType.DMA,
            pltpu.SemaphoreType.DMA,
            pltpu.SemaphoreType.DMA,
        ],
        compiler_params=_sc_params,
    )(voxp, idx2d)


def _s4_body(xt_ref, voxg_ref, w0t_ref, b0c_ref, w1t_ref, b1c_ref,
             wct_ref, bcc_ref, wc2t_ref, bc2c_ref,
             feats_ref, l1_ref, l2_ref):
    ht = b0c_ref[...]
    for k in range(D_IN):
        ht = ht + w0t_ref[:, k:k + 1] * xt_ref[k:k + 1, :]
    ht = jnp.maximum(ht, 0.0)
    vgt = voxg_ref[...].T
    t = jnp.dot(w1t_ref[...], ht, preferred_element_type=jnp.float32)
    feats = jnp.maximum(t + vgt[:CS, :] + b1c_ref[...], 0.0)
    feats_ref[...] = feats
    l1_ref[...] = jnp.dot(wct_ref[...], feats,
                          preferred_element_type=jnp.float32) + bcc_ref[...]
    l2_ref[...] = jnp.dot(wc2t_ref[...], feats,
                          preferred_element_type=jnp.float32) + bc2c_ref[...]


def _s4(xt, voxg, w0t, b0c, w1t, b1c, wct, bcc, wc2t, bc2c):
    nblk = (N + BN4 - 1) // BN4
    return pl.pallas_call(
        _s4_body,
        grid=(nblk,),
        in_specs=[
            pl.BlockSpec((D_IN, BN4), lambda i: (0, i)),
            pl.BlockSpec((BN4, 128), lambda i: (i, 0)),
            pl.BlockSpec((H, D_IN), lambda i: (0, 0)),
            pl.BlockSpec((H, 1), lambda i: (0, 0)),
            pl.BlockSpec((CS, H), lambda i: (0, 0)),
            pl.BlockSpec((CS, 1), lambda i: (0, 0)),
            pl.BlockSpec((NCLS, CS), lambda i: (0, 0)),
            pl.BlockSpec((NCLS, 1), lambda i: (0, 0)),
            pl.BlockSpec((NCLS, CS), lambda i: (0, 0)),
            pl.BlockSpec((NCLS, 1), lambda i: (0, 0)),
        ],
        out_specs=[
            pl.BlockSpec((CS, BN4), lambda i: (0, i)),
            pl.BlockSpec((NCLS, BN4), lambda i: (0, i)),
            pl.BlockSpec((NCLS, BN4), lambda i: (0, i)),
        ],
        out_shape=[
            jax.ShapeDtypeStruct((CS, N), jnp.float32),
            jax.ShapeDtypeStruct((NCLS, N), jnp.float32),
            jax.ShapeDtypeStruct((NCLS, N), jnp.float32),
        ],
    )(xt, voxg, w0t, b0c, w1t, b1c, wct, bcc, wc2t, bc2c)


@jax.jit
def kernel(pt_feats, voxel_idx, W0, b0, Wv, bv, W1, b1, Wc, bc, Wc2, bc2):
    idx = voxel_idx.astype(jnp.int32)
    idx_pad = jnp.concatenate(
        [idx, jnp.broadcast_to(idx[-1:], (N_PAD - N,))])
    idx2d = idx_pad.reshape(N_PAD // 128, 128)

    b0r = b0.reshape(1, H)
    bvr = bv.reshape(1, H)

    xt = jnp.pad(pt_feats.T, ((0, 0), (0, N_PAD - N)))
    cntp = _scnt(idx2d)
    h3 = _s0(xt, W0, b0r)
    vsum = _s1(h3, idx2d)
    voxp = _s2(vsum, cntp, Wv, bvr, W1)
    voxg = _s3(voxp, idx2d)
    ft, l1t, l2t = _s4(xt, voxg, W0.T, b0.reshape(H, 1),
                       W1.T, b1.reshape(CS, 1),
                       Wc.T, bc.reshape(NCLS, 1),
                       Wc2.T, bc2.reshape(NCLS, 1))
    return ft.T, l1t.T, l2t.T

# --- scband reference (transcript-rebuilt; emitter-appended) ---
"""Pipeline reference for scband-net3-dseg-26809185862226 (READ-ONLY COPY).

The authoritative reference and input builder live on the scoring server;
editing this copy changes nothing except your own understanding.
"""

import jax, jax.numpy as jnp
import numpy as np

N = 100000      # points
V = 20000       # voxels
D_IN = 4        # lidar xyz + intensity
H = 256         # backbone hidden width
CS_LAST = 96    # SPVCNN cs[-1]
NUM_CLASSES = 19


def setup_inputs(seed: int = 0) -> dict:
    key = jax.random.key(seed)
    ks = jax.random.split(key, 14)
    s = 0.05
    return {
        "pt_feats": jax.random.normal(ks[0], (N, D_IN), dtype=jnp.float32),
        "voxel_idx": jnp.sort(jax.random.randint(ks[1], (N,), 0, V)),
        # point MLP
        "W0": jax.random.normal(ks[2], (D_IN, H), dtype=jnp.float32) * s,
        "b0": jnp.zeros((H,), dtype=jnp.float32),
        # voxel-branch MLP (stand-in for sparse voxel convs)
        "Wv": jax.random.normal(ks[3], (H, H), dtype=jnp.float32) * s,
        "bv": jnp.zeros((H,), dtype=jnp.float32),
        # fuse + project to cs[-1]
        "W1": jax.random.normal(ks[4], (H, CS_LAST), dtype=jnp.float32) * s,
        "b1": jnp.zeros((CS_LAST,), dtype=jnp.float32),
        # seg head 1
        "Wc": jax.random.normal(ks[5], (CS_LAST, NUM_CLASSES), dtype=jnp.float32) * s,
        "bc": jnp.zeros((NUM_CLASSES,), dtype=jnp.float32),
        # dual head 2
        "Wc2": jax.random.normal(ks[6], (CS_LAST, NUM_CLASSES), dtype=jnp.float32) * s,
        "bc2": jnp.zeros((NUM_CLASSES,), dtype=jnp.float32),
    }


def reference(pt_feats, voxel_idx, W0, b0, Wv, bv, W1, b1, Wc, bc, Wc2, bc2):
    # --- SPVCNN backbone (point-voxel interaction) ---
    # point stem
    h = jax.nn.relu(pt_feats @ W0 + b0)                      # [N, H]
    # voxelize: scatter-mean points -> voxels
    vsum = jax.ops.segment_sum(h, voxel_idx, num_segments=V)           # [V, H]
    vcnt = jax.ops.segment_sum(jnp.ones((h.shape[0], 1), h.dtype), voxel_idx, num_segments=V)
    vox = vsum / jnp.maximum(vcnt, 1.0)
    # voxel branch
    vox = jax.nn.relu(vox @ Wv + bv)                         # [V, H]
    # devoxelize: gather voxel feats back to points, residual fuse
    h = h + jnp.take(vox, voxel_idx, axis=0)                 # [N, H]
    feats = jax.nn.relu(h @ W1 + b1)                         # [N, CS_LAST]
    # --- heads ---
    lidar_seg_logit = feats @ Wc + bc                        # [N, 19]
    lidar_seg_logit2 = feats @ Wc2 + bc2                     # [N, 19] (dual_head)
    return (feats, lidar_seg_logit, lidar_seg_logit2)

if __name__ == "__main__":
    import jax
    _d = setup_inputs()
    print(jax.jit(kernel)(*tuple(_d.values())))

</pallas_src>

<mosaic_0001>
#map = affine_map<(d0, d1) -> (0, 0)>
module attributes {stable_mosaic.version = 14 : i64} {
  func.func @_scnt_body(%arg0: i32, %arg1: i32, %arg2: memref<800x128xi32, #tpu.memory_space<hbm>>, %arg3: memref<32x20480xf32, #tpu.memory_space<hbm>>, %arg4: memref<25x128xi32, #tpu.memory_space<vmem>>, %arg5: memref<20480xf32, #tpu.memory_space<vmem>>) attributes {dimension_semantics = [#tpu.dimension_semantics<core_parallel>, #tpu.dimension_semantics<subcore_parallel>], iteration_bounds = array<i64: 2, 16>, scalar_prefetch = 0 : i64, scratch_operands = 2 : i64, tpu.core_type = #tpu.core_type<sc_vector_subcore>, window_params = [{transform_indices = #map}, {transform_indices = #map}]} {
    %mul3A = arith.constant 2 : i32
    %mul3A_0 = arith.muli %arg1, %mul3A : i32
    %add3A = arith.addi %mul3A_0, %arg0 : i32
    %broadcast_in_dim3A = arith.constant 0.000000e+00 : f32
    %broadcast_in_dim3A_1 = vector.broadcast %broadcast_in_dim3A : f32 to vector<16xf32>
    %broadcast_in_dim3A_2 = arith.constant 1.000000e+00 : f32
    %broadcast_in_dim3A_3 = vector.broadcast %broadcast_in_dim3A_2 : f32 to vector<16xf32>
    %iota3A = tpu.iota {dimensions = array<i32: 0>} : vector<16xi32>
    %scan3A = arith.constant 0 : i32
    %scan3A_4 = arith.constant 0 : i32
    %scan3A_5 = arith.constant 1280 : i32
    %scan3A_6 = arith.addi %scan3A_4, %scan3A_5 : i32
    %scan3A_7 = arith.constant 1 : i32
    %scan3A_8 = scf.for %scan3A_19 = %scan3A_4 to %scan3A_6 step %scan3A_7 iter_args(%scan3A_20 = %scan3A) -> (i32)  : i32 {
      %mul3A_21 = arith.constant 16 : i32
      %mul3A_22 = arith.muli %scan3A_19, %mul3A_21 : i32
      %swap3A = arith.index_cast %mul3A_22 : i32 to index
      %swap3A_23 = tpu.vector_load %arg5[%swap3A] {strides = array<i32>} : memref<20480xf32, #tpu.memory_space<vmem>>, vector<16xf32>,
      tpu.vector_store %arg5[%swap3A], %broadcast_in_dim3A_1 {strides = array<i32>} : memref<20480xf32, #tpu.memory_space<vmem>>, vector<16xf32>,
      %scan3A_24 = arith.constant 0 : i32
      scf.yield %scan3A_24 : i32
    }
    %scan3A_9 = arith.constant 1280 : i32
    %mul3A_10 = arith.constant 25 : i32
    %mul3A_11 = arith.muli %add3A, %mul3A_10 : i32
    "tpu.region"() ({
      %run_scoped3A = tpu.sem_alloc : memref<!tpu.dma_semaphore, #tpu.memory_space<semaphore_mem>>
      %dma_start3A = arith.constant 0 : i32
      %dma_start3A_19 = tpu.memref_slice %arg2[%mul3A_11, %dma_start3A] : memref<800x128xi32, #tpu.memory_space<hbm>> -> memref<25x128xi32, #tpu.memory_space<hbm>>
      %dma_start3A_20 = arith.constant 0 : i32
      %dma_start3A_21 = tpu.memref_slice %arg2[%mul3A_11, %dma_start3A_20] : memref<800x128xi32, #tpu.memory_space<hbm>> -> memref<25x128xi32, #tpu.memory_space<hbm>>
      tpu.enqueue_dma source(%dma_start3A_21 : memref<25x128xi32, #tpu.memory_space<hbm>>) target(%arg4 : memref<25x128xi32, #tpu.memory_space<vmem>>) target_semaphore(%run_scoped3A : memref<!tpu.dma_semaphore, #tpu.memory_space<semaphore_mem>>)
      %dma_wait3A = arith.constant 0 : i32
      %dma_wait3A_22 = tpu.memref_slice %arg2[%mul3A_11, %dma_wait3A] : memref<800x128xi32, #tpu.memory_space<hbm>> -> memref<25x128xi32, #tpu.memory_space<hbm>>
      %dma_wait3A_23 = arith.constant 0 : i32
      %dma_wait3A_24 = tpu.memref_slice %arg2[%mul3A_11, %dma_wait3A_23] : memref<800x128xi32, #tpu.memory_space<hbm>> -> memref<25x128xi32, #tpu.memory_space<hbm>>
      tpu.wait_dma2 semaphore(%run_scoped3A : memref<!tpu.dma_semaphore, #tpu.memory_space<semaphore_mem>>) src(%dma_wait3A_24 : memref<25x128xi32, #tpu.memory_space<hbm>>) dst(%arg4 : memref<25x128xi32, #tpu.memory_space<vmem>>)
      tpu.yield
    }) : () -> ()
    %scan3A_12 = arith.constant 0 : i32
    %scan3A_13 = arith.constant 0 : i32
    %scan3A_14 = arith.constant 25 : i32
    %scan3A_15 = arith.addi %scan3A_13, %scan3A_14 : i32
    %scan3A_16 = arith.constant 1 : i32
    %scan3A_17 = scf.for %scan3A_19 = %scan3A_13 to %scan3A_15 step %scan3A_16 iter_args(%scan3A_20 = %scan3A_12) -> (i32)  : i32 {
      %scan3A_21 = arith.constant 0 : i32
      %scan3A_22 = arith.constant 0 : i32
      %scan3A_23 = arith.constant 8 : i32
      %scan3A_24 = arith.addi %scan3A_22, %scan3A_23 : i32
      %scan3A_25 = arith.constant 1 : i32
      %scan3A_26 = scf.for %scan3A_29 = %scan3A_22 to %scan3A_24 step %scan3A_25 iter_args(%scan3A_30 = %scan3A_21) -> (i32)  : i32 {
        %mul3A_31 = arith.constant 3200 : i32
        %mul3A_32 = arith.muli %add3A, %mul3A_31 : i32
        %mul3A_33 = arith.constant 128 : i32
        %mul3A_34 = arith.muli %scan3A_19, %mul3A_33 : i32
        %add3A_35 = arith.addi %mul3A_32, %mul3A_34 : i32
        %mul3A_36 = arith.constant 16 : i32
        %mul3A_37 = arith.muli %scan3A_29, %mul3A_36 : i32
        %add3A_38 = arith.addi %add3A_35, %mul3A_37 : i32
        %mul3A_39 = arith.constant 16 : i32
        %mul3A_40 = arith.muli %scan3A_29, %mul3A_39 : i32
        %get3A = arith.index_cast %scan3A_19 : i32 to index
        %get3A_41 = arith.index_cast %mul3A_40 : i32 to index
        %get3A_42 = tpu.vector_load %arg4[%get3A, %get3A_41] {strides = array<i32>} : memref<25x128xi32, #tpu.memory_space<vmem>>, vector<16xi32>,
        %add3A_43 = vector.broadcast %add3A_38 : i32 to vector<16xi32>
        %add3A_44 = arith.addi %add3A_43, %iota3A : vector<16xi32>
        %lt3A = arith.constant 100000 : i32
        %lt3A_45 = vector.broadcast %lt3A : i32 to vector<16xi32>
        %lt3A_46 = arith.cmpi slt, %add3A_44, %lt3A_45 : vector<16xi32>
        tpu.vector_store_idx %arg5[%get3A_42], %broadcast_in_dim3A_3 masked %lt3A_46 {add = true} : memref<20480xf32, #tpu.memory_space<vmem>>[vector<16xi32>], vector<16xf32>, vector<16xi1>
        %scan3A_47 = arith.constant 0 : i32
        scf.yield %scan3A_47 : i32
      }
      %scan3A_27 = arith.constant 8 : i32
      %scan3A_28 = arith.constant 0 : i32
      scf.yield %scan3A_28 : i32
    }
    %scan3A_18 = arith.constant 25 : i32
    "tpu.region"() ({
      %run_scoped3A = tpu.sem_alloc : memref<!tpu.dma_semaphore, #tpu.memory_space<semaphore_mem>>
      %dma_start3A = arith.constant 0 : i32
      %dma_start3A_19 = tpu.memref_slice %arg3[%add3A, %dma_start3A] : memref<32x20480xf32, #tpu.memory_space<hbm>> -> memref<1x20480xf32, #tpu.memory_space<hbm>>
      %dma_start3A_20 = tpu.memref_squeeze %dma_start3A_19 : memref<1x20480xf32, #tpu.memory_space<hbm>> -> memref<20480xf32, #tpu.memory_space<hbm>>
      %dma_start3A_21 = arith.constant 0 : i32
      %dma_start3A_22 = tpu.memref_slice %arg3[%add3A, %dma_start3A_21] : memref<32x20480xf32, #tpu.memory_space<hbm>> -> memref<1x20480xf32, #tpu.memory_space<hbm>>
      %dma_start3A_23 = tpu.memref_squeeze %dma_start3A_22 : memref<1x20480xf32, #tpu.memory_space<hbm>> -> memref<20480xf32, #tpu.memory_space<hbm>>
      tpu.enqueue_dma source(%arg5 : memref<20480xf32, #tpu.memory_space<vmem>>) target(%dma_start3A_23 : memref<20480xf32, #tpu.memory_space<hbm>>) target_semaphore(%run_scoped3A : memref<!tpu.dma_semaphore, #tpu.memory_space<semaphore_mem>>)
      %dma_wait3A = arith.constant 0 : i32
      %dma_wait3A_24 = tpu.memref_slice %arg3[%add3A, %dma_wait3A] : memref<32x20480xf32, #tpu.memory_space<hbm>> -> memref<1x20480xf32, #tpu.memory_space<hbm>>
      %dma_wait3A_25 = tpu.memref_squeeze %dma_wait3A_24 : memref<1x20480xf32, #tpu.memory_space<hbm>> -> memref<20480xf32, #tpu.memory_space<hbm>>
      %dma_wait3A_26 = arith.constant 0 : i32
      %dma_wait3A_27 = tpu.memref_slice %arg3[%add3A, %dma_wait3A_26] : memref<32x20480xf32, #tpu.memory_space<hbm>> -> memref<1x20480xf32, #tpu.memory_space<hbm>>
      %dma_wait3A_28 = tpu.memref_squeeze %dma_wait3A_27 : memref<1x20480xf32, #tpu.memory_space<hbm>> -> memref<20480xf32, #tpu.memory_space<hbm>>
      tpu.wait_dma2 semaphore(%run_scoped3A : memref<!tpu.dma_semaphore, #tpu.memory_space<semaphore_mem>>) src(%arg5 : memref<20480xf32, #tpu.memory_space<vmem>>) dst(%dma_wait3A_28 : memref<20480xf32, #tpu.memory_space<hbm>>)
      tpu.yield
    }) : () -> ()
    return
  }
}

#map = affine_map<(d0, d1) -> (0, 0, 0)>
#map1 = affine_map<(d0, d1) -> (0, 0)>
module attributes {stable_mosaic.version = 14 : i64} {
  func.func @_s1_body(%arg0: i32, %arg1: i32, %arg2: memref<2x102400x128xf32, #tpu.memory_space<hbm>>, %arg3: memref<800x128xi32, #tpu.memory_space<hbm>>, %arg4: memref<2x20480x128xf32, #tpu.memory_space<hbm>>, %arg5: memref<20480x64xf32, #tpu.memory_space<vmem_shared>>, %arg6: memref<128x64xf32, #tpu.memory_space<vmem>>, %arg7: memref<128x64xf32, #tpu.memory_space<vmem>>, %arg8: memref<50x128xi32, #tpu.memory_space<vmem>>, %arg9: memref<64x64xf32, #tpu.memory_space<vmem>>, %arg10: memref<!tpu.dma_semaphore, #tpu.memory_space<semaphore_mem>>, %arg11: memref<!tpu.dma_semaphore, #tpu.memory_space<semaphore_mem>>) attributes {dimension_semantics = [#tpu.dimension_semantics<core_parallel>, #tpu.dimension_semantics<subcore_parallel>], iteration_bounds = array<i64: 2, 16>, scalar_prefetch = 0 : i64, scratch_operands = 7 : i64, tpu.core_type = #tpu.core_type<sc_vector_subcore>, window_params = [{transform_indices = #map}, {transform_indices = #map1}, {transform_indices = #map}]} {
    %broadcast_in_dim3A = arith.constant 0.000000e+00 : f32
    %broadcast_in_dim3A_0 = vector.broadcast %broadcast_in_dim3A : f32 to vector<16xf32>
    %scan3A = arith.constant 0 : i32
    %scan3A_1 = arith.constant 0 : i32
    %scan3A_2 = arith.constant 64 : i32
    %scan3A_3 = arith.addi %scan3A_1, %scan3A_2 : i32
    %scan3A_4 = arith.constant 1 : i32
    %scan3A_5 = scf.for %scan3A_85 = %scan3A_1 to %scan3A_3 step %scan3A_4 iter_args(%scan3A_86 = %scan3A) -> (i32)  : i32 {
      %swap3A = arith.index_cast %scan3A_85 : i32 to index
      %swap3A_87 = arith.constant 0 : index
      %swap3A_88 = tpu.vector_load %arg9[%swap3A, %swap3A_87] {strides = array<i32>} : memref<64x64xf32, #tpu.memory_space<vmem>>, vector<16xf32>,
      tpu.vector_store %arg9[%swap3A, %swap3A_87], %broadcast_in_dim3A_0 {strides = array<i32>} : memref<64x64xf32, #tpu.memory_space<vmem>>, vector<16xf32>,
      %swap3A_89 = arith.index_cast %scan3A_85 : i32 to index
      %swap3A_90 = arith.constant 16 : index
      %swap3A_91 = tpu.vector_load %arg9[%swap3A_89, %swap3A_90] {strides = array<i32>} : memref<64x64xf32, #tpu.memory_space<vmem>>, vector<16xf32>,
      tpu.vector_store %arg9[%swap3A_89, %swap3A_90], %broadcast_in_dim3A_0 {strides = array<i32>} : memref<64x64xf32, #tpu.memory_space<vmem>>, vector<16xf32>,
      %swap3A_92 = arith.index_cast %scan3A_85 : i32 to index
      %swap3A_93 = arith.constant 32 : index
      %swap3A_94 = tpu.vector_load %arg9[%swap3A_92, %swap3A_93] {strides = array<i32>} : memref<64x64xf32, #tpu.memory_space<vmem>>, vector<16xf32>,
      tpu.vector_store %arg9[%swap3A_92, %swap3A_93], %broadcast_in_dim3A_0 {strides = array<i32>} : memref<64x64xf32, #tpu.memory_space<vmem>>, vector<16xf32>,
      %swap3A_95 = arith.index_cast %scan3A_85 : i32 to index
      %swap3A_96 = arith.constant 48 : index
      %swap3A_97 = tpu.vector_load %arg9[%swap3A_95, %swap3A_96] {strides = array<i32>} : memref<64x64xf32, #tpu.memory_space<vmem>>, vector<16xf32>,
      tpu.vector_store %arg9[%swap3A_95, %swap3A_96], %broadcast_in_dim3A_0 {strides = array<i32>} : memref<64x64xf32, #tpu.memory_space<vmem>>, vector<16xf32>,
      %scan3A_98 = arith.constant 0 : i32
      scf.yield %scan3A_98 : i32
    }
    %scan3A_6 = arith.constant 64 : i32
    %mul3A = arith.constant 50 : i32
    %mul3A_7 = arith.muli %arg1, %mul3A : i32
    "tpu.region"() ({
      %run_scoped3A = tpu.sem_alloc : memref<!tpu.dma_semaphore, #tpu.memory_space<semaphore_mem>>
      %dma_start3A_85 = arith.constant 0 : i32
      %dma_start3A_86 = tpu.memref_slice %arg3[%mul3A_7, %dma_start3A_85] : memref<800x128xi32, #tpu.memory_space<hbm>> -> memref<50x128xi32, #tpu.memory_space<hbm>>
      %dma_start3A_87 = arith.constant 0 : i32
      %dma_start3A_88 = tpu.memref_slice %arg3[%mul3A_7, %dma_start3A_87] : memref<800x128xi32, #tpu.memory_space<hbm>> -> memref<50x128xi32, #tpu.memory_space<hbm>>
      tpu.enqueue_dma source(%dma_start3A_88 : memref<50x128xi32, #tpu.memory_space<hbm>>) target(%arg8 : memref<50x128xi32, #tpu.memory_space<vmem>>) target_semaphore(%run_scoped3A : memref<!tpu.dma_semaphore, #tpu.memory_space<semaphore_mem>>)
      %dma_wait3A = arith.constant 0 : i32
      %dma_wait3A_89 = tpu.memref_slice %arg3[%mul3A_7, %dma_wait3A] : memref<800x128xi32, #tpu.memory_space<hbm>> -> memref<50x128xi32, #tpu.memory_space<hbm>>
      %dma_wait3A_90 = arith.constant 0 : i32
      %dma_wait3A_91 = tpu.memref_slice %arg3[%mul3A_7, %dma_wait3A_90] : memref<800x128xi32, #tpu.memory_space<hbm>> -> memref<50x128xi32, #tpu.memory_space<hbm>>
      tpu.wait_dma2 semaphore(%run_scoped3A : memref<!tpu.dma_semaphore, #tpu.memory_space<semaphore_mem>>) src(%dma_wait3A_91 : memref<50x128xi32, #tpu.memory_space<hbm>>) dst(%arg8 : memref<50x128xi32, #tpu.memory_space<vmem>>)
      tpu.yield
    }) : () -> ()
    %scan3A_8 = arith.constant 0 : i32
    %scan3A_9 = arith.constant 0 : i32
    %scan3A_10 = arith.constant 20 : i32
    %scan3A_11 = arith.addi %scan3A_9, %scan3A_10 : i32
    %scan3A_12 = arith.constant 1 : i32
    %scan3A_13 = scf.for %scan3A_85 = %scan3A_9 to %scan3A_11 step %scan3A_12 iter_args(%scan3A_86 = %scan3A_8) -> (i32)  : i32 {
      %mul3A_87 = arith.constant 1280 : i32
      %mul3A_88 = arith.muli %arg1, %mul3A_87 : i32
      %mul3A_89 = arith.constant 64 : i32
      %mul3A_90 = arith.muli %scan3A_85, %mul3A_89 : i32
      %add3A_91 = arith.addi %mul3A_88, %mul3A_90 : i32
      "tpu.region"() ({
        %run_scoped3A = tpu.sem_alloc : memref<!tpu.dma_semaphore, #tpu.memory_space<semaphore_mem>>
        %dma_start3A_93 = arith.constant 0 : i32
        %dma_start3A_94 = tpu.memref_slice %arg5[%add3A_91, %dma_start3A_93] : memref<20480x64xf32, #tpu.memory_space<vmem_shared>> -> memref<64x64xf32, #tpu.memory_space<vmem_shared>>
        %dma_start3A_95 = arith.constant 0 : i32
        %dma_start3A_96 = tpu.memref_slice %arg5[%add3A_91, %dma_start3A_95] : memref<20480x64xf32, #tpu.memory_space<vmem_shared>> -> memref<64x64xf32, #tpu.memory_space<vmem_shared>>
        tpu.enqueue_dma source(%arg9 : memref<64x64xf32, #tpu.memory_space<vmem>>) target(%dma_start3A_96 : memref<64x64xf32, #tpu.memory_space<vmem_shared>>) target_semaphore(%run_scoped3A : memref<!tpu.dma_semaphore, #tpu.memory_space<semaphore_mem>>)
        %dma_wait3A = arith.constant 0 : i32
        %dma_wait3A_97 = tpu.memref_slice %arg5[%add3A_91, %dma_wait3A] : memref<20480x64xf32, #tpu.memory_space<vmem_shared>> -> memref<64x64xf32, #tpu.memory_space<vmem_shared>>
        %dma_wait3A_98 = arith.constant 0 : i32
        %dma_wait3A_99 = tpu.memref_slice %arg5[%add3A_91, %dma_wait3A_98] : memref<20480x64xf32, #tpu.memory_space<vmem_shared>> -> memref<64x64xf32, #tpu.memory_space<vmem_shared>>
        tpu.wait_dma2 semaphore(%run_scoped3A : memref<!tpu.dma_semaphore, #tpu.memory_space<semaphore_mem>>) src(%arg9 : memref<64x64xf32, #tpu.memory_space<vmem>>) dst(%dma_wait3A_99 : memref<64x64xf32, #tpu.memory_space<vmem_shared>>)
        tpu.yield
      }) : () -> ()
      %scan3A_92 = arith.constant 0 : i32
      scf.yield %scan3A_92 : i32
    }
    %scan3A_14 = arith.constant 20 : i32
    %barrier3A = arith.constant 0 : index
    tpu.barrier barrier_id(%barrier3A)
    %mul3A_15 = arith.constant 6400 : i32
    %mul3A_16 = arith.muli %arg1, %mul3A_15 : i32
    %add3A = arith.constant 0 : i32
    %add3A_17 = arith.addi %mul3A_16, %add3A : i32
    %dma_start3A = arith.constant 0 : i32
    %dma_start3A_18 = tpu.memref_slice %arg2[%arg0, %add3A_17, %dma_start3A] : memref<2x102400x128xf32, #tpu.memory_space<hbm>> -> memref<1x128x64xf32, #tpu.memory_space<hbm>>
    %dma_start3A_19 = tpu.memref_squeeze %dma_start3A_18 : memref<1x128x64xf32, #tpu.memory_space<hbm>> -> memref<128x64xf32, #tpu.memory_space<hbm>>
    %dma_start3A_20 = arith.constant 0 : i32
    %dma_start3A_21 = tpu.memref_slice %arg2[%arg0, %add3A_17, %dma_start3A_20] : memref<2x102400x128xf32, #tpu.memory_space<hbm>> -> memref<1x128x64xf32, #tpu.memory_space<hbm>>
    %dma_start3A_22 = tpu.memref_squeeze %dma_start3A_21 : memref<1x128x64xf32, #tpu.memory_space<hbm>> -> memref<128x64xf32, #tpu.memory_space<hbm>>
    tpu.enqueue_dma source(%dma_start3A_22 : memref<128x64xf32, #tpu.memory_space<hbm>>) target(%arg6 : memref<128x64xf32, #tpu.memory_space<vmem>>) target_semaphore(%arg10 : memref<!tpu.dma_semaphore, #tpu.memory_space<semaphore_mem>>)
    %mul3A_23 = arith.constant 6400 : i32
    %mul3A_24 = arith.muli %arg1, %mul3A_23 : i32
    %add3A_25 = arith.constant 128 : i32
    %add3A_26 = arith.addi %mul3A_24, %add3A_25 : i32
    %dma_start3A_27 = arith.constant 0 : i32
    %dma_start3A_28 = tpu.memref_slice %arg2[%arg0, %add3A_26, %dma_start3A_27] : memref<2x102400x128xf32, #tpu.memory_space<hbm>> -> memref<1x128x64xf32, #tpu.memory_space<hbm>>
    %dma_start3A_29 = tpu.memref_squeeze %dma_start3A_28 : memref<1x128x64xf32, #tpu.memory_space<hbm>> -> memref<128x64xf32, #tpu.memory_space<hbm>>
    %dma_start3A_30 = arith.constant 0 : i32
    %dma_start3A_31 = tpu.memref_slice %arg2[%arg0, %add3A_26, %dma_start3A_30] : memref<2x102400x128xf32, #tpu.memory_space<hbm>> -> memref<1x128x64xf32, #tpu.memory_space<hbm>>
    %dma_start3A_32 = tpu.memref_squeeze %dma_start3A_31 : memref<1x128x64xf32, #tpu.memory_space<hbm>> -> memref<128x64xf32, #tpu.memory_space<hbm>>
    tpu.enqueue_dma source(%dma_start3A_32 : memref<128x64xf32, #tpu.memory_space<hbm>>) target(%arg7 : memref<128x64xf32, #tpu.memory_space<vmem>>) target_semaphore(%arg11 : memref<!tpu.dma_semaphore, #tpu.memory_space<semaphore_mem>>)
    %scan3A_33 = arith.constant 0 : i32
    %scan3A_34 = arith.constant 0 : i32
    %scan3A_35 = arith.constant 25 : i32
    %scan3A_36 = arith.addi %scan3A_34, %scan3A_35 : i32
    %scan3A_37 = arith.constant 1 : i32
    %scan3A_38 = scf.for %scan3A_85 = %scan3A_34 to %scan3A_36 step %scan3A_37 iter_args(%scan3A_86 = %scan3A_33) -> (i32)  : i32 {
      %mul3A_87 = arith.constant 2 : i32
      %mul3A_88 = arith.muli %mul3A_87, %scan3A_85 : i32
      %add3A_89 = arith.constant 0 : i32
      %add3A_90 = arith.addi %mul3A_88, %add3A_89 : i32
      %mul3A_91 = arith.constant 6400 : i32
      %mul3A_92 = arith.muli %arg1, %mul3A_91 : i32
      %mul3A_93 = arith.constant 128 : i32
      %mul3A_94 = arith.muli %add3A_90, %mul3A_93 : i32
      %add3A_95 = arith.addi %mul3A_92, %mul3A_94 : i32
      %dma_wait3A = arith.constant 0 : i32
      %dma_wait3A_96 = tpu.memref_slice %arg2[%arg0, %add3A_95, %dma_wait3A] : memref<2x102400x128xf32, #tpu.memory_space<hbm>> -> memref<1x128x64xf32, #tpu.memory_space<hbm>>
      %dma_wait3A_97 = tpu.memref_squeeze %dma_wait3A_96 : memref<1x128x64xf32, #tpu.memory_space<hbm>> -> memref<128x64xf32, #tpu.memory_space<hbm>>
      %dma_wait3A_98 = arith.constant 0 : i32
      %dma_wait3A_99 = tpu.memref_slice %arg2[%arg0, %add3A_95, %dma_wait3A_98] : memref<2x102400x128xf32, #tpu.memory_space<hbm>> -> memref<1x128x64xf32, #tpu.memory_space<hbm>>
      %dma_wait3A_100 = tpu.memref_squeeze %dma_wait3A_99 : memref<1x128x64xf32, #tpu.memory_space<hbm>> -> memref<128x64xf32, #tpu.memory_space<hbm>>
      tpu.wait_dma2 semaphore(%arg10 : memref<!tpu.dma_semaphore, #tpu.memory_space<semaphore_mem>>) src(%dma_wait3A_100 : memref<128x64xf32, #tpu.memory_space<hbm>>) dst(%arg6 : memref<128x64xf32, #tpu.memory_space<vmem>>)
      "tpu.region"() ({
        %run_scoped3A = tpu.sem_alloc : memref<!tpu.dma_semaphore, #tpu.memory_space<semaphore_mem>>
        %dma_start3A_128 = arith.constant 0 : i32
        %dma_start3A_129 = tpu.memref_slice %arg8[%add3A_90, %dma_start3A_128] : memref<50x128xi32, #tpu.memory_space<vmem>> -> memref<1x128xi32, #tpu.memory_space<vmem>>
        %dma_start3A_130 = tpu.memref_squeeze %dma_start3A_129 : memref<1x128xi32, #tpu.memory_space<vmem>> -> memref<128xi32, #tpu.memory_space<vmem>>
        %dma_start3A_131 = arith.constant 0 : i32
        %dma_start3A_132 = arith.constant 0 : i32
        %dma_start3A_133 = tpu.memref_slice %arg5[%dma_start3A_131, %dma_start3A_132] : memref<20480x64xf32, #tpu.memory_space<vmem_shared>> -> memref<20480x64xf32, #tpu.memory_space<vmem_shared>>
        tpu.enqueue_indirect_dma source(%arg6 : memref<128x64xf32, #tpu.memory_space<vmem>>) target(%dma_start3A_133 : memref<20480x64xf32, #tpu.memory_space<vmem_shared>>) offsets(%dma_start3A_130 : memref<128xi32, #tpu.memory_space<vmem>>) semaphore(%run_scoped3A : memref<!tpu.dma_semaphore, #tpu.memory_space<semaphore_mem>>) {add = true}
        %dma_wait3A_134 = arith.constant 0 : i32
        %dma_wait3A_135 = tpu.memref_slice %arg8[%add3A_90, %dma_wait3A_134] : memref<50x128xi32, #tpu.memory_space<vmem>> -> memref<1x128xi32, #tpu.memory_space<vmem>>
        %dma_wait3A_136 = tpu.memref_squeeze %dma_wait3A_135 : memref<1x128xi32, #tpu.memory_space<vmem>> -> memref<128xi32, #tpu.memory_space<vmem>>
        %dma_wait3A_137 = arith.constant 0 : i32
        %dma_wait3A_138 = arith.constant 0 : i32
        %dma_wait3A_139 = tpu.memref_slice %arg5[%dma_wait3A_137, %dma_wait3A_138] : memref<20480x64xf32, #tpu.memory_space<vmem_shared>> -> memref<20480x64xf32, #tpu.memory_space<vmem_shared>>
        tpu.wait_indirect_dma semaphore(%run_scoped3A : memref<!tpu.dma_semaphore, #tpu.memory_space<semaphore_mem>>) src(%arg6 : memref<128x64xf32, #tpu.memory_space<vmem>>) dst(%dma_wait3A_139 : memref<20480x64xf32, #tpu.memory_space<vmem_shared>>)
        tpu.yield
      }) : () -> ()
      %add3A_101 = arith.constant 2 : i32
      %add3A_102 = arith.addi %add3A_90, %add3A_101 : i32
      %lt3A = arith.constant 50 : i32
      %lt3A_103 = arith.cmpi slt, %add3A_102, %lt3A : i32
      %convert_element_type3A = arith.extui %lt3A_103 : i1 to i32
      %cond3A = arith.constant 0 : i32
      %cond3A_104 = arith.cmpi ne, %convert_element_type3A, %cond3A : i32
      scf.if %cond3A_104 {
        %add3A_128 = arith.constant 2 : i32
        %add3A_129 = arith.addi %add3A_90, %add3A_128 : i32
        %mul3A_130 = arith.constant 6400 : i32
        %mul3A_131 = arith.muli %arg1, %mul3A_130 : i32
        %mul3A_132 = arith.constant 128 : i32
        %mul3A_133 = arith.muli %add3A_129, %mul3A_132 : i32
        %add3A_134 = arith.addi %mul3A_131, %mul3A_133 : i32
        %dma_start3A_135 = arith.constant 0 : i32
        %dma_start3A_136 = tpu.memref_slice %arg2[%arg0, %add3A_134, %dma_start3A_135] : memref<2x102400x128xf32, #tpu.memory_space<hbm>> -> memref<1x128x64xf32, #tpu.memory_space<hbm>>
        %dma_start3A_137 = tpu.memref_squeeze %dma_start3A_136 : memref<1x128x64xf32, #tpu.memory_space<hbm>> -> memref<128x64xf32, #tpu.memory_space<hbm>>
        %dma_start3A_138 = arith.constant 0 : i32
        %dma_start3A_139 = tpu.memref_slice %arg2[%arg0, %add3A_134, %dma_start3A_138] : memref<2x102400x128xf32, #tpu.memory_space<hbm>> -> memref<1x128x64xf32, #tpu.memory_space<hbm>>
        %dma_start3A_140 = tpu.memref_squeeze %dma_start3A_139 : memref<1x128x64xf32, #tpu.memory_space<hbm>> -> memref<128x64xf32, #tpu.memory_space<hbm>>
        tpu.enqueue_dma source(%dma_start3A_140 : memref<128x64xf32, #tpu.memory_space<hbm>>) target(%arg6 : memref<128x64xf32, #tpu.memory_space<vmem>>) target_semaphore(%arg10 : memref<!tpu.dma_semaphore, #tpu.memory_space<semaphore_mem>>)
      } else {
      }
      %mul3A_105 = arith.constant 2 : i32
      %mul3A_106 = arith.muli %mul3A_105, %scan3A_85 : i32
      %add3A_107 = arith.constant 1 : i32
      %add3A_108 = arith.addi %mul3A_106, %add3A_107 : i32
      %mul3A_109 = arith.constant 6400 : i32
      %mul3A_110 = arith.muli %arg1, %mul3A_109 : i32
      %mul3A_111 = arith.constant 128 : i32
      %mul3A_112 = arith.muli %add3A_108, %mul3A_111 : i32
      %add3A_113 = arith.addi %mul3A_110, %mul3A_112 : i32
      %dma_wait3A_114 = arith.constant 0 : i32
      %dma_wait3A_115 = tpu.memref_slice %arg2[%arg0, %add3A_113, %dma_wait3A_114] : memref<2x102400x128xf32, #tpu.memory_space<hbm>> -> memref<1x128x64xf32, #tpu.memory_space<hbm>>
      %dma_wait3A_116 = tpu.memref_squeeze %dma_wait3A_115 : memref<1x128x64xf32, #tpu.memory_space<hbm>> -> memref<128x64xf32, #tpu.memory_space<hbm>>
      %dma_wait3A_117 = arith.constant 0 : i32
      %dma_wait3A_118 = tpu.memref_slice %arg2[%arg0, %add3A_113, %dma_wait3A_117] : memref<2x102400x128xf32, #tpu.memory_space<hbm>> -> memref<1x128x64xf32, #tpu.memory_space<hbm>>
      %dma_wait3A_119 = tpu.memref_squeeze %dma_wait3A_118 : memref<1x128x64xf32, #tpu.memory_space<hbm>> -> memref<128x64xf32, #tpu.memory_space<hbm>>
      tpu.wait_dma2 semaphore(%arg11 : memref<!tpu.dma_semaphore, #tpu.memory_space<semaphore_mem>>) src(%dma_wait3A_119 : memref<128x64xf32, #tpu.memory_space<hbm>>) dst(%arg7 : memref<128x64xf32, #tpu.memory_space<vmem>>)
      "tpu.region"() ({
        %run_scoped3A = tpu.sem_alloc : memref<!tpu.dma_semaphore, #tpu.memory_space<semaphore_mem>>
        %dma_start3A_128 = arith.constant 0 : i32
        %dma_start3A_129 = tpu.memref_slice %arg8[%add3A_108, %dma_start3A_128] : memref<50x128xi32, #tpu.memory_space<vmem>> -> memref<1x128xi32, #tpu.memory_space<vmem>>
        %dma_start3A_130 = tpu.memref_squeeze %dma_start3A_129 : memref<1x128xi32, #tpu.memory_space<vmem>> -> memref<128xi32, #tpu.memory_space<vmem>>
        %dma_start3A_131 = arith.constant 0 : i32
        %dma_start3A_132 = arith.constant 0 : i32
        %dma_start3A_133 = tpu.memref_slice %arg5[%dma_start3A_131, %dma_start3A_132] : memref<20480x64xf32, #tpu.memory_space<vmem_shared>> -> memref<20480x64xf32, #tpu.memory_space<vmem_shared>>
        tpu.enqueue_indirect_dma source(%arg7 : memref<128x64xf32, #tpu.memory_space<vmem>>) target(%dma_start3A_133 : memref<20480x64xf32, #tpu.memory_space<vmem_shared>>) offsets(%dma_start3A_130 : memref<128xi32, #tpu.memory_space<vmem>>) semaphore(%run_scoped3A : memref<!tpu.dma_semaphore, #tpu.memory_space<semaphore_mem>>) {add = true}
        %dma_wait3A_134 = arith.constant 0 : i32
        %dma_wait3A_135 = tpu.memref_slice %arg8[%add3A_108, %dma_wait3A_134] : memref<50x128xi32, #tpu.memory_space<vmem>> -> memref<1x128xi32, #tpu.memory_space<vmem>>
        %dma_wait3A_136 = tpu.memref_squeeze %dma_wait3A_135 : memref<1x128xi32, #tpu.memory_space<vmem>> -> memref<128xi32, #tpu.memory_space<vmem>>
        %dma_wait3A_137 = arith.constant 0 : i32
        %dma_wait3A_138 = arith.constant 0 : i32
        %dma_wait3A_139 = tpu.memref_slice %arg5[%dma_wait3A_137, %dma_wait3A_138] : memref<20480x64xf32, #tpu.memory_space<vmem_shared>> -> memref<20480x64xf32, #tpu.memory_space<vmem_shared>>
        tpu.wait_indirect_dma semaphore(%run_scoped3A : memref<!tpu.dma_semaphore, #tpu.memory_space<semaphore_mem>>) src(%arg7 : memref<128x64xf32, #tpu.memory_space<vmem>>) dst(%dma_wait3A_139 : memref<20480x64xf32, #tpu.memory_space<vmem_shared>>)
        tpu.yield
      }) : () -> ()
      %add3A_120 = arith.constant 2 : i32
      %add3A_121 = arith.addi %add3A_108, %add3A_120 : i32
      %lt3A_122 = arith.constant 50 : i32
      %lt3A_123 = arith.cmpi slt, %add3A_121, %lt3A_122 : i32
      %convert_element_type3A_124 = arith.extui %lt3A_123 : i1 to i32
      %cond3A_125 = arith.constant 0 : i32
      %cond3A_126 = arith.cmpi ne, %convert_element_type3A_124, %cond3A_125 : i32
      scf.if %cond3A_126 {
        %add3A_128 = arith.constant 2 : i32
        %add3A_129 = arith.addi %add3A_108, %add3A_128 : i32
        %mul3A_130 = arith.constant 6400 : i32
        %mul3A_131 = arith.muli %arg1, %mul3A_130 : i32
        %mul3A_132 = arith.constant 128 : i32
        %mul3A_133 = arith.muli %add3A_129, %mul3A_132 : i32
        %add3A_134 = arith.addi %mul3A_131, %mul3A_133 : i32
        %dma_start3A_135 = arith.constant 0 : i32
        %dma_start3A_136 = tpu.memref_slice %arg2[%arg0, %add3A_134, %dma_start3A_135] : memref<2x102400x128xf32, #tpu.memory_space<hbm>> -> memref<1x128x64xf32, #tpu.memory_space<hbm>>
        %dma_start3A_137 = tpu.memref_squeeze %dma_start3A_136 : memref<1x128x64xf32, #tpu.memory_space<hbm>> -> memref<128x64xf32, #tpu.memory_space<hbm>>
        %dma_start3A_138 = arith.constant 0 : i32
        %dma_start3A_139 = tpu.memref_slice %arg2[%arg0, %add3A_134, %dma_start3A_138] : memref<2x102400x128xf32, #tpu.memory_space<hbm>> -> memref<1x128x64xf32, #tpu.memory_space<hbm>>
        %dma_start3A_140 = tpu.memref_squeeze %dma_start3A_139 : memref<1x128x64xf32, #tpu.memory_space<hbm>> -> memref<128x64xf32, #tpu.memory_space<hbm>>
        tpu.enqueue_dma source(%dma_start3A_140 : memref<128x64xf32, #tpu.memory_space<hbm>>) target(%arg7 : memref<128x64xf32, #tpu.memory_space<vmem>>) target_semaphore(%arg11 : memref<!tpu.dma_semaphore, #tpu.memory_space<semaphore_mem>>)
      } else {
      }
      %scan3A_127 = arith.constant 0 : i32
      scf.yield %scan3A_127 : i32
    }
    %scan3A_39 = arith.constant 25 : i32
    %barrier3A_40 = arith.constant 0 : index
    tpu.barrier barrier_id(%barrier3A_40)
    %mul3A_41 = arith.constant 1280 : i32
    %mul3A_42 = arith.muli %arg1, %mul3A_41 : i32
    %mul3A_43 = arith.constant 1280 : i32
    %mul3A_44 = arith.muli %arg1, %mul3A_43 : i32
    "tpu.region"() ({
      %run_scoped3A = tpu.sem_alloc : memref<!tpu.dma_semaphore, #tpu.memory_space<semaphore_mem>>
      %dma_start3A_85 = arith.constant 0 : i32
      %dma_start3A_86 = tpu.memref_slice %arg4[%arg0, %mul3A_44, %dma_start3A_85] : memref<2x20480x128xf32, #tpu.memory_space<hbm>> -> memref<1x1280x64xf32, #tpu.memory_space<hbm>>
      %dma_start3A_87 = tpu.memref_squeeze %dma_start3A_86 : memref<1x1280x64xf32, #tpu.memory_space<hbm>> -> memref<1280x64xf32, #tpu.memory_space<hbm>>
      %dma_start3A_88 = arith.constant 0 : i32
      %dma_start3A_89 = tpu.memref_slice %arg5[%mul3A_42, %dma_start3A_88] : memref<20480x64xf32, #tpu.memory_space<vmem_shared>> -> memref<1280x64xf32, #tpu.memory_space<vmem_shared>>
      tpu.enqueue_dma source(%dma_start3A_89 : memref<1280x64xf32, #tpu.memory_space<vmem_shared>>) target(%dma_start3A_87 : memref<1280x64xf32, #tpu.memory_space<hbm>>) target_semaphore(%run_scoped3A : memref<!tpu.dma_semaphore, #tpu.memory_space<semaphore_mem>>)
      %dma_wait3A = arith.constant 0 : i32
      %dma_wait3A_90 = tpu.memref_slice %arg4[%arg0, %mul3A_44, %dma_wait3A] : memref<2x20480x128xf32, #tpu.memory_space<hbm>> -> memref<1x1280x64xf32, #tpu.memory_space<hbm>>
      %dma_wait3A_91 = tpu.memref_squeeze %dma_wait3A_90 : memref<1x1280x64xf32, #tpu.memory_space<hbm>> -> memref<1280x64xf32, #tpu.memory_space<hbm>>
      %dma_wait3A_92 = arith.constant 0 : i32
      %dma_wait3A_93 = tpu.memref_slice %arg5[%mul3A_42, %dma_wait3A_92] : memref<20480x64xf32, #tpu.memory_space<vmem_shared>> -> memref<1280x64xf32, #tpu.memory_space<vmem_shared>>
      tpu.wait_dma2 semaphore(%run_scoped3A : memref<!tpu.dma_semaphore, #tpu.memory_space<semaphore_mem>>) src(%dma_wait3A_93 : memref<1280x64xf32, #tpu.memory_space<vmem_shared>>) dst(%dma_wait3A_91 : memref<1280x64xf32, #tpu.memory_space<hbm>>)
      tpu.yield
    }) : () -> ()
    %scan3A_45 = arith.constant 0 : i32
    %scan3A_46 = arith.constant 0 : i32
    %scan3A_47 = arith.constant 20 : i32
    %scan3A_48 = arith.addi %scan3A_46, %scan3A_47 : i32
    %scan3A_49 = arith.constant 1 : i32
    %scan3A_50 = scf.for %scan3A_85 = %scan3A_46 to %scan3A_48 step %scan3A_49 iter_args(%scan3A_86 = %scan3A_45) -> (i32)  : i32 {
      %mul3A_87 = arith.constant 1280 : i32
      %mul3A_88 = arith.muli %arg1, %mul3A_87 : i32
      %mul3A_89 = arith.constant 64 : i32
      %mul3A_90 = arith.muli %scan3A_85, %mul3A_89 : i32
      %add3A_91 = arith.addi %mul3A_88, %mul3A_90 : i32
      "tpu.region"() ({
        %run_scoped3A = tpu.sem_alloc : memref<!tpu.dma_semaphore, #tpu.memory_space<semaphore_mem>>
        %dma_start3A_93 = arith.constant 0 : i32
        %dma_start3A_94 = tpu.memref_slice %arg5[%add3A_91, %dma_start3A_93] : memref<20480x64xf32, #tpu.memory_space<vmem_shared>> -> memref<64x64xf32, #tpu.memory_space<vmem_shared>>
        %dma_start3A_95 = arith.constant 0 : i32
        %dma_start3A_96 = tpu.memref_slice %arg5[%add3A_91, %dma_start3A_95] : memref<20480x64xf32, #tpu.memory_space<vmem_shared>> -> memref<64x64xf32, #tpu.memory_space<vmem_shared>>
        tpu.enqueue_dma source(%arg9 : memref<64x64xf32, #tpu.memory_space<vmem>>) target(%dma_start3A_96 : memref<64x64xf32, #tpu.memory_space<vmem_shared>>) target_semaphore(%run_scoped3A : memref<!tpu.dma_semaphore, #tpu.memory_space<semaphore_mem>>)
        %dma_wait3A = arith.constant 0 : i32
        %dma_wait3A_97 = tpu.memref_slice %arg5[%add3A_91, %dma_wait3A] : memref<20480x64xf32, #tpu.memory_space<vmem_shared>> -> memref<64x64xf32, #tpu.memory_space<vmem_shared>>
        %dma_wait3A_98 = arith.constant 0 : i32
        %dma_wait3A_99 = tpu.memref_slice %arg5[%add3A_91, %dma_wait3A_98] : memref<20480x64xf32, #tpu.memory_space<vmem_shared>> -> memref<64x64xf32, #tpu.memory_space<vmem_shared>>
        tpu.wait_dma2 semaphore(%run_scoped3A : memref<!tpu.dma_semaphore, #tpu.memory_space<semaphore_mem>>) src(%arg9 : memref<64x64xf32, #tpu.memory_space<vmem>>) dst(%dma_wait3A_99 : memref<64x64xf32, #tpu.memory_space<vmem_shared>>)
        tpu.yield
      }) : () -> ()
      %scan3A_92 = arith.constant 0 : i32
      scf.yield %scan3A_92 : i32
    }
    %scan3A_51 = arith.constant 20 : i32
    %barrier3A_52 = arith.constant 0 : index
    tpu.barrier barrier_id(%barrier3A_52)
    %mul3A_53 = arith.constant 6400 : i32
    %mul3A_54 = arith.muli %arg1, %mul3A_53 : i32
    %add3A_55 = arith.constant 0 : i32
    %add3A_56 = arith.addi %mul3A_54, %add3A_55 : i32
    %dma_start3A_57 = arith.constant 64 : i32
    %dma_start3A_58 = tpu.memref_slice %arg2[%arg0, %add3A_56, %dma_start3A_57] : memref<2x102400x128xf32, #tpu.memory_space<hbm>> -> memref<1x128x64xf32, #tpu.memory_space<hbm>>
    %dma_start3A_59 = tpu.memref_squeeze %dma_start3A_58 : memref<1x128x64xf32, #tpu.memory_space<hbm>> -> memref<128x64xf32, #tpu.memory_space<hbm>>
    %dma_start3A_60 = arith.constant 64 : i32
    %dma_start3A_61 = tpu.memref_slice %arg2[%arg0, %add3A_56, %dma_start3A_60] : memref<2x102400x128xf32, #tpu.memory_space<hbm>> -> memref<1x128x64xf32, #tpu.memory_space<hbm>>
    %dma_start3A_62 = tpu.memref_squeeze %dma_start3A_61 : memref<1x128x64xf32, #tpu.memory_space<hbm>> -> memref<128x64xf32, #tpu.memory_space<hbm>>
    tpu.enqueue_dma source(%dma_start3A_62 : memref<128x64xf32, #tpu.memory_space<hbm>>) target(%arg6 : memref<128x64xf32, #tpu.memory_space<vmem>>) target_semaphore(%arg10 : memref<!tpu.dma_semaphore, #tpu.memory_space<semaphore_mem>>)
    %mul3A_63 = arith.constant 6400 : i32
    %mul3A_64 = arith.muli %arg1, %mul3A_63 : i32
    %add3A_65 = arith.constant 128 : i32
    %add3A_66 = arith.addi %mul3A_64, %add3A_65 : i32
    %dma_start3A_67 = arith.constant 64 : i32
    %dma_start3A_68 = tpu.memref_slice %arg2[%arg0, %add3A_66, %dma_start3A_67] : memref<2x102400x128xf32, #tpu.memory_space<hbm>> -> memref<1x128x64xf32, #tpu.memory_space<hbm>>
    %dma_start3A_69 = tpu.memref_squeeze %dma_start3A_68 : memref<1x128x64xf32, #tpu.memory_space<hbm>> -> memref<128x64xf32, #tpu.memory_space<hbm>>
    %dma_start3A_70 = arith.constant 64 : i32
    %dma_start3A_71 = tpu.memref_slice %arg2[%arg0, %add3A_66, %dma_start3A_70] : memref<2x102400x128xf32, #tpu.memory_space<hbm>> -> memref<1x128x64xf32, #tpu.memory_space<hbm>>
    %dma_start3A_72 = tpu.memref_squeeze %dma_start3A_71 : memref<1x128x64xf32, #tpu.memory_space<hbm>> -> memref<128x64xf32, #tpu.memory_space<hbm>>
    tpu.enqueue_dma source(%dma_start3A_72 : memref<128x64xf32, #tpu.memory_space<hbm>>) target(%arg7 : memref<128x64xf32, #tpu.memory_space<vmem>>) target_semaphore(%arg11 : memref<!tpu.dma_semaphore, #tpu.memory_space<semaphore_mem>>)
    %scan3A_73 = arith.constant 0 : i32
    %scan3A_74 = arith.constant 0 : i32
    %scan3A_75 = arith.constant 25 : i32
    %scan3A_76 = arith.addi %scan3A_74, %scan3A_75 : i32
    %scan3A_77 = arith.constant 1 : i32
    %scan3A_78 = scf.for %scan3A_85 = %scan3A_74 to %scan3A_76 step %scan3A_77 iter_args(%scan3A_86 = %scan3A_73) -> (i32)  : i32 {
      %mul3A_87 = arith.constant 2 : i32
      %mul3A_88 = arith.muli %mul3A_87, %scan3A_85 : i32
      %add3A_89 = arith.constant 0 : i32
      %add3A_90 = arith.addi %mul3A_88, %add3A_89 : i32
      %mul3A_91 = arith.constant 6400 : i32
      %mul3A_92 = arith.muli %arg1, %mul3A_91 : i32
      %mul3A_93 = arith.constant 128 : i32
      %mul3A_94 = arith.muli %add3A_90, %mul3A_93 : i32
      %add3A_95 = arith.addi %mul3A_92, %mul3A_94 : i32
      %dma_wait3A = arith.constant 64 : i32
      %dma_wait3A_96 = tpu.memref_slice %arg2[%arg0, %add3A_95, %dma_wait3A] : memref<2x102400x128xf32, #tpu.memory_space<hbm>> -> memref<1x128x64xf32, #tpu.memory_space<hbm>>
      %dma_wait3A_97 = tpu.memref_squeeze %dma_wait3A_96 : memref<1x128x64xf32, #tpu.memory_space<hbm>> -> memref<128x64xf32, #tpu.memory_space<hbm>>
      %dma_wait3A_98 = arith.constant 64 : i32
      %dma_wait3A_99 = tpu.memref_slice %arg2[%arg0, %add3A_95, %dma_wait3A_98] : memref<2x102400x128xf32, #tpu.memory_space<hbm>> -> memref<1x128x64xf32, #tpu.memory_space<hbm>>
      %dma_wait3A_100 = tpu.memref_squeeze %dma_wait3A_99 : memref<1x128x64xf32, #tpu.memory_space<hbm>> -> memref<128x64xf32, #tpu.memory_space<hbm>>
      tpu.wait_dma2 semaphore(%arg10 : memref<!tpu.dma_semaphore, #tpu.memory_space<semaphore_mem>>) src(%dma_wait3A_100 : memref<128x64xf32, #tpu.memory_space<hbm>>) dst(%arg6 : memref<128x64xf32, #tpu.memory_space<vmem>>)
      "tpu.region"() ({
        %run_scoped3A = tpu.sem_alloc : memref<!tpu.dma_semaphore, #tpu.memory_space<semaphore_mem>>
        %dma_start3A_128 = arith.constant 0 : i32
        %dma_start3A_129 = tpu.memref_slice %arg8[%add3A_90, %dma_start3A_128] : memref<50x128xi32, #tpu.memory_space<vmem>> -> memref<1x128xi32, #tpu.memory_space<vmem>>
        %dma_start3A_130 = tpu.memref_squeeze %dma_start3A_129 : memref<1x128xi32, #tpu.memory_space<vmem>> -> memref<128xi32, #tpu.memory_space<vmem>>
        %dma_start3A_131 = arith.constant 0 : i32
        %dma_start3A_132 = arith.constant 0 : i32
        %dma_start3A_133 = tpu.memref_slice %arg5[%dma_start3A_131, %dma_start3A_132] : memref<20480x64xf32, #tpu.memory_space<vmem_shared>> -> memref<20480x64xf32, #tpu.memory_space<vmem_shared>>
        tpu.enqueue_indirect_dma source(%arg6 : memref<128x64xf32, #tpu.memory_space<vmem>>) target(%dma_start3A_133 : memref<20480x64xf32, #tpu.memory_space<vmem_shared>>) offsets(%dma_start3A_130 : memref<128xi32, #tpu.memory_space<vmem>>) semaphore(%run_scoped3A : memref<!tpu.dma_semaphore, #tpu.memory_space<semaphore_mem>>) {add = true}
        %dma_wait3A_134 = arith.constant 0 : i32
        %dma_wait3A_135 = tpu.memref_slice %arg8[%add3A_90, %dma_wait3A_134] : memref<50x128xi32, #tpu.memory_space<vmem>> -> memref<1x128xi32, #tpu.memory_space<vmem>>
        %dma_wait3A_136 = tpu.memref_squeeze %dma_wait3A_135 : memref<1x128xi32, #tpu.memory_space<vmem>> -> memref<128xi32, #tpu.memory_space<vmem>>
        %dma_wait3A_137 = arith.constant 0 : i32
        %dma_wait3A_138 = arith.constant 0 : i32
        %dma_wait3A_139 = tpu.memref_slice %arg5[%dma_wait3A_137, %dma_wait3A_138] : memref<20480x64xf32, #tpu.memory_space<vmem_shared>> -> memref<20480x64xf32, #tpu.memory_space<vmem_shared>>
        tpu.wait_indirect_dma semaphore(%run_scoped3A : memref<!tpu.dma_semaphore, #tpu.memory_space<semaphore_mem>>) src(%arg6 : memref<128x64xf32, #tpu.memory_space<vmem>>) dst(%dma_wait3A_139 : memref<20480x64xf32, #tpu.memory_space<vmem_shared>>)
        tpu.yield
      }) : () -> ()
      %add3A_101 = arith.constant 2 : i32
      %add3A_102 = arith.addi %add3A_90, %add3A_101 : i32
      %lt3A = arith.constant 50 : i32
      %lt3A_103 = arith.cmpi slt, %add3A_102, %lt3A : i32
      %convert_element_type3A = arith.extui %lt3A_103 : i1 to i32
      %cond3A = arith.constant 0 : i32
      %cond3A_104 = arith.cmpi ne, %convert_element_type3A, %cond3A : i32
      scf.if %cond3A_104 {
        %add3A_128 = arith.constant 2 : i32
        %add3A_129 = arith.addi %add3A_90, %add3A_128 : i32
        %mul3A_130 = arith.constant 6400 : i32
        %mul3A_131 = arith.muli %arg1, %mul3A_130 : i32
        %mul3A_132 = arith.constant 128 : i32
        %mul3A_133 = arith.muli %add3A_129, %mul3A_132 : i32
        %add3A_134 = arith.addi %mul3A_131, %mul3A_133 : i32
        %dma_start3A_135 = arith.constant 64 : i32
        %dma_start3A_136 = tpu.memref_slice %arg2[%arg0, %add3A_134, %dma_start3A_135] : memref<2x102400x128xf32, #tpu.memory_space<hbm>> -> memref<1x128x64xf32, #tpu.memory_space<hbm>>
        %dma_start3A_137 = tpu.memref_squeeze %dma_start3A_136 : memref<1x128x64xf32, #tpu.memory_space<hbm>> -> memref<128x64xf32, #tpu.memory_space<hbm>>
        %dma_start3A_138 = arith.constant 64 : i32
        %dma_start3A_139 = tpu.memref_slice %arg2[%arg0, %add3A_134, %dma_start3A_138] : memref<2x102400x128xf32, #tpu.memory_space<hbm>> -> memref<1x128x64xf32, #tpu.memory_space<hbm>>
        %dma_start3A_140 = tpu.memref_squeeze %dma_start3A_139 : memref<1x128x64xf32, #tpu.memory_space<hbm>> -> memref<128x64xf32, #tpu.memory_space<hbm>>
        tpu.enqueue_dma source(%dma_start3A_140 : memref<128x64xf32, #tpu.memory_space<hbm>>) target(%arg6 : memref<128x64xf32, #tpu.memory_space<vmem>>) target_semaphore(%arg10 : memref<!tpu.dma_semaphore, #tpu.memory_space<semaphore_mem>>)
      } else {
      }
      %mul3A_105 = arith.constant 2 : i32
      %mul3A_106 = arith.muli %mul3A_105, %scan3A_85 : i32
      %add3A_107 = arith.constant 1 : i32
      %add3A_108 = arith.addi %mul3A_106, %add3A_107 : i32
      %mul3A_109 = arith.constant 6400 : i32
      %mul3A_110 = arith.muli %arg1, %mul3A_109 : i32
      %mul3A_111 = arith.constant 128 : i32
      %mul3A_112 = arith.muli %add3A_108, %mul3A_111 : i32
      %add3A_113 = arith.addi %mul3A_110, %mul3A_112 : i32
      %dma_wait3A_114 = arith.constant 64 : i32
      %dma_wait3A_115 = tpu.memref_slice %arg2[%arg0, %add3A_113, %dma_wait3A_114] : memref<2x102400x128xf32, #tpu.memory_space<hbm>> -> memref<1x128x64xf32, #tpu.memory_space<hbm>>
      %dma_wait3A_116 = tpu.memref_squeeze %dma_wait3A_115 : memref<1x128x64xf32, #tpu.memory_space<hbm>> -> memref<128x64xf32, #tpu.memory_space<hbm>>
      %dma_wait3A_117 = arith.constant 64 : i32
      %dma_wait3A_118 = tpu.memref_slice %arg2[%arg0, %add3A_113, %dma_wait3A_117] : memref<2x102400x128xf32, #tpu.memory_space<hbm>> -> memref<1x128x64xf32, #tpu.memory_space<hbm>>
      %dma_wait3A_119 = tpu.memref_squeeze %dma_wait3A_118 : memref<1x128x64xf32, #tpu.memory_space<hbm>> -> memref<128x64xf32, #tpu.memory_space<hbm>>
      tpu.wait_dma2 semaphore(%arg11 : memref<!tpu.dma_semaphore, #tpu.memory_space<semaphore_mem>>) src(%dma_wait3A_119 : memref<128x64xf32, #tpu.memory_space<hbm>>) dst(%arg7 : memref<128x64xf32, #tpu.memory_space<vmem>>)
      "tpu.region"() ({
        %run_scoped3A = tpu.sem_alloc : memref<!tpu.dma_semaphore, #tpu.memory_space<semaphore_mem>>
        %dma_start3A_128 = arith.constant 0 : i32
        %dma_start3A_129 = tpu.memref_slice %arg8[%add3A_108, %dma_start3A_128] : memref<50x128xi32, #tpu.memory_space<vmem>> -> memref<1x128xi32, #tpu.memory_space<vmem>>
        %dma_start3A_130 = tpu.memref_squeeze %dma_start3A_129 : memref<1x128xi32, #tpu.memory_space<vmem>> -> memref<128xi32, #tpu.memory_space<vmem>>
        %dma_start3A_131 = arith.constant 0 : i32
        %dma_start3A_132 = arith.constant 0 : i32
        %dma_start3A_133 = tpu.memref_slice %arg5[%dma_start3A_131, %dma_start3A_132] : memref<20480x64xf32, #tpu.memory_space<vmem_shared>> -> memref<20480x64xf32, #tpu.memory_space<vmem_shared>>
        tpu.enqueue_indirect_dma source(%arg7 : memref<128x64xf32, #tpu.memory_space<vmem>>) target(%dma_start3A_133 : memref<20480x64xf32, #tpu.memory_space<vmem_shared>>) offsets(%dma_start3A_130 : memref<128xi32, #tpu.memory_space<vmem>>) semaphore(%run_scoped3A : memref<!tpu.dma_semaphore, #tpu.memory_space<semaphore_mem>>) {add = true}
        %dma_wait3A_134 = arith.constant 0 : i32
        %dma_wait3A_135 = tpu.memref_slice %arg8[%add3A_108, %dma_wait3A_134] : memref<50x128xi32, #tpu.memory_space<vmem>> -> memref<1x128xi32, #tpu.memory_space<vmem>>
        %dma_wait3A_136 = tpu.memref_squeeze %dma_wait3A_135 : memref<1x128xi32, #tpu.memory_space<vmem>> -> memref<128xi32, #tpu.memory_space<vmem>>
        %dma_wait3A_137 = arith.constant 0 : i32
        %dma_wait3A_138 = arith.constant 0 : i32
        %dma_wait3A_139 = tpu.memref_slice %arg5[%dma_wait3A_137, %dma_wait3A_138] : memref<20480x64xf32, #tpu.memory_space<vmem_shared>> -> memref<20480x64xf32, #tpu.memory_space<vmem_shared>>
        tpu.wait_indirect_dma semaphore(%run_scoped3A : memref<!tpu.dma_semaphore, #tpu.memory_space<semaphore_mem>>) src(%arg7 : memref<128x64xf32, #tpu.memory_space<vmem>>) dst(%dma_wait3A_139 : memref<20480x64xf32, #tpu.memory_space<vmem_shared>>)
        tpu.yield
      }) : () -> ()
      %add3A_120 = arith.constant 2 : i32
      %add3A_121 = arith.addi %add3A_108, %add3A_120 : i32
      %lt3A_122 = arith.constant 50 : i32
      %lt3A_123 = arith.cmpi slt, %add3A_121, %lt3A_122 : i32
      %convert_element_type3A_124 = arith.extui %lt3A_123 : i1 to i32
      %cond3A_125 = arith.constant 0 : i32
      %cond3A_126 = arith.cmpi ne, %convert_element_type3A_124, %cond3A_125 : i32
      scf.if %cond3A_126 {
        %add3A_128 = arith.constant 2 : i32
        %add3A_129 = arith.addi %add3A_108, %add3A_128 : i32
        %mul3A_130 = arith.constant 6400 : i32
        %mul3A_131 = arith.muli %arg1, %mul3A_130 : i32
        %mul3A_132 = arith.constant 128 : i32
        %mul3A_133 = arith.muli %add3A_129, %mul3A_132 : i32
        %add3A_134 = arith.addi %mul3A_131, %mul3A_133 : i32
        %dma_start3A_135 = arith.constant 64 : i32
        %dma_start3A_136 = tpu.memref_slice %arg2[%arg0, %add3A_134, %dma_start3A_135] : memref<2x102400x128xf32, #tpu.memory_space<hbm>> -> memref<1x128x64xf32, #tpu.memory_space<hbm>>
        %dma_start3A_137 = tpu.memref_squeeze %dma_start3A_136 : memref<1x128x64xf32, #tpu.memory_space<hbm>> -> memref<128x64xf32, #tpu.memory_space<hbm>>
        %dma_start3A_138 = arith.constant 64 : i32
        %dma_start3A_139 = tpu.memref_slice %arg2[%arg0, %add3A_134, %dma_start3A_138] : memref<2x102400x128xf32, #tpu.memory_space<hbm>> -> memref<1x128x64xf32, #tpu.memory_space<hbm>>
        %dma_start3A_140 = tpu.memref_squeeze %dma_start3A_139 : memref<1x128x64xf32, #tpu.memory_space<hbm>> -> memref<128x64xf32, #tpu.memory_space<hbm>>
        tpu.enqueue_dma source(%dma_start3A_140 : memref<128x64xf32, #tpu.memory_space<hbm>>) target(%arg7 : memref<128x64xf32, #tpu.memory_space<vmem>>) target_semaphore(%arg11 : memref<!tpu.dma_semaphore, #tpu.memory_space<semaphore_mem>>)
      } else {
      }
      %scan3A_127 = arith.constant 0 : i32
      scf.yield %scan3A_127 : i32
    }
    %scan3A_79 = arith.constant 25 : i32
    %barrier3A_80 = arith.constant 0 : index
    tpu.barrier barrier_id(%barrier3A_80)
    %mul3A_81 = arith.constant 1280 : i32
    %mul3A_82 = arith.muli %arg1, %mul3A_81 : i32
    %mul3A_83 = arith.constant 1280 : i32
    %mul3A_84 = arith.muli %arg1, %mul3A_83 : i32
    "tpu.region"() ({
      %run_scoped3A = tpu.sem_alloc : memref<!tpu.dma_semaphore, #tpu.memory_space<semaphore_mem>>
      %dma_start3A_85 = arith.constant 64 : i32
      %dma_start3A_86 = tpu.memref_slice %arg4[%arg0, %mul3A_84, %dma_start3A_85] : memref<2x20480x128xf32, #tpu.memory_space<hbm>> -> memref<1x1280x64xf32, #tpu.memory_space<hbm>>
      %dma_start3A_87 = tpu.memref_squeeze %dma_start3A_86 : memref<1x1280x64xf32, #tpu.memory_space<hbm>> -> memref<1280x64xf32, #tpu.memory_space<hbm>>
      %dma_start3A_88 = arith.constant 0 : i32
      %dma_start3A_89 = tpu.memref_slice %arg5[%mul3A_82, %dma_start3A_88] : memref<20480x64xf32, #tpu.memory_space<vmem_shared>> -> memref<1280x64xf32, #tpu.memory_space<vmem_shared>>
      tpu.enqueue_dma source(%dma_start3A_89 : memref<1280x64xf32, #tpu.memory_space<vmem_shared>>) target(%dma_start3A_87 : memref<1280x64xf32, #tpu.memory_space<hbm>>) target_semaphore(%run_scoped3A : memref<!tpu.dma_semaphore, #tpu.memory_space<semaphore_mem>>)
      %dma_wait3A = arith.constant 64 : i32
      %dma_wait3A_90 = tpu.memref_slice %arg4[%arg0, %mul3A_84, %dma_wait3A] : memref<2x20480x128xf32, #tpu.memory_space<hbm>> -> memref<1x1280x64xf32, #tpu.memory_space<hbm>>
      %dma_wait3A_91 = tpu.memref_squeeze %dma_wait3A_90 : memref<1x1280x64xf32, #tpu.memory_space<hbm>> -> memref<1280x64xf32, #tpu.memory_space<hbm>>
      %dma_wait3A_92 = arith.constant 0 : i32
      %dma_wait3A_93 = tpu.memref_slice %arg5[%mul3A_82, %dma_wait3A_92] : memref<20480x64xf32, #tpu.memory_space<vmem_shared>> -> memref<1280x64xf32, #tpu.memory_space<vmem_shared>>
      tpu.wait_dma2 semaphore(%run_scoped3A : memref<!tpu.dma_semaphore, #tpu.memory_space<semaphore_mem>>) src(%dma_wait3A_93 : memref<1280x64xf32, #tpu.memory_space<vmem_shared>>) dst(%dma_wait3A_91 : memref<1280x64xf32, #tpu.memory_space<hbm>>)
      tpu.yield
    }) : () -> ()
    return
  }
}

#map = affine_map<(d0, d1) -> (0, 0)>
module attributes {stable_mosaic.version = 14 : i64} {
  func.func @_s3_body(%arg0: i32, %arg1: i32, %arg2: memref<20480x128xf32, #tpu.memory_space<hbm>>, %arg3: memref<800x128xi32, #tpu.memory_space<hbm>>, %arg4: memref<102400x128xf32, #tpu.memory_space<hbm>>, %arg5: memref<25x128xi32, #tpu.memory_space<vmem>>, %arg6: memref<128x128xf32, #tpu.memory_space<vmem>>, %arg7: memref<128x128xf32, #tpu.memory_space<vmem>>, %arg8: memref<128x128xf32, #tpu.memory_space<vmem>>, %arg9: memref<128x128xf32, #tpu.memory_space<vmem>>, %arg10: memref<!tpu.dma_semaphore, #tpu.memory_space<semaphore_mem>>, %arg11: memref<!tpu.dma_semaphore, #tpu.memory_space<semaphore_mem>>, %arg12: memref<!tpu.dma_semaphore, #tpu.memory_space<semaphore_mem>>, %arg13: memref<!tpu.dma_semaphore, #tpu.memory_space<semaphore_mem>>, %arg14: memref<!tpu.dma_semaphore, #tpu.memory_space<semaphore_mem>>, %arg15: memref<!tpu.dma_semaphore, #tpu.memory_space<semaphore_mem>>, %arg16: memref<!tpu.dma_semaphore, #tpu.memory_space<semaphore_mem>>, %arg17: memref<!tpu.dma_semaphore, #tpu.memory_space<semaphore_mem>>) attributes {dimension_semantics = [#tpu.dimension_semantics<core_parallel>, #tpu.dimension_semantics<subcore_parallel>], iteration_bounds = array<i64: 2, 16>, scalar_prefetch = 0 : i64, scratch_operands = 13 : i64, tpu.core_type = #tpu.core_type<sc_vector_subcore>, window_params = [{transform_indices = #map}, {transform_indices = #map}, {transform_indices = #map}]} {
    %mul3A = arith.constant 2 : i32
    %mul3A_0 = arith.muli %arg1, %mul3A : i32
    %add3A = arith.addi %mul3A_0, %arg0 : i32
    %mul3A_1 = arith.constant 25 : i32
    %mul3A_2 = arith.muli %add3A, %mul3A_1 : i32
    "tpu.region"() ({
      %run_scoped3A = tpu.sem_alloc : memref<!tpu.dma_semaphore, #tpu.memory_space<semaphore_mem>>
      %dma_start3A_67 = arith.constant 0 : i32
      %dma_start3A_68 = tpu.memref_slice %arg3[%mul3A_2, %dma_start3A_67] : memref<800x128xi32, #tpu.memory_space<hbm>> -> memref<25x128xi32, #tpu.memory_space<hbm>>
      %dma_start3A_69 = arith.constant 0 : i32
      %dma_start3A_70 = tpu.memref_slice %arg3[%mul3A_2, %dma_start3A_69] : memref<800x128xi32, #tpu.memory_space<hbm>> -> memref<25x128xi32, #tpu.memory_space<hbm>>
      tpu.enqueue_dma source(%dma_start3A_70 : memref<25x128xi32, #tpu.memory_space<hbm>>) target(%arg5 : memref<25x128xi32, #tpu.memory_space<vmem>>) target_semaphore(%run_scoped3A : memref<!tpu.dma_semaphore, #tpu.memory_space<semaphore_mem>>)
      %dma_wait3A_71 = arith.constant 0 : i32
      %dma_wait3A_72 = tpu.memref_slice %arg3[%mul3A_2, %dma_wait3A_71] : memref<800x128xi32, #tpu.memory_space<hbm>> -> memref<25x128xi32, #tpu.memory_space<hbm>>
      %dma_wait3A_73 = arith.constant 0 : i32
      %dma_wait3A_74 = tpu.memref_slice %arg3[%mul3A_2, %dma_wait3A_73] : memref<800x128xi32, #tpu.memory_space<hbm>> -> memref<25x128xi32, #tpu.memory_space<hbm>>
      tpu.wait_dma2 semaphore(%run_scoped3A : memref<!tpu.dma_semaphore, #tpu.memory_space<semaphore_mem>>) src(%dma_wait3A_74 : memref<25x128xi32, #tpu.memory_space<hbm>>) dst(%arg5 : memref<25x128xi32, #tpu.memory_space<vmem>>)
      tpu.yield
    }) : () -> ()
    %dma_start3A = arith.constant 0 : i32
    %dma_start3A_3 = arith.constant 0 : i32
    %dma_start3A_4 = tpu.memref_slice %arg5[%dma_start3A, %dma_start3A_3] : memref<25x128xi32, #tpu.memory_space<vmem>> -> memref<1x128xi32, #tpu.memory_space<vmem>>
    %dma_start3A_5 = tpu.memref_squeeze %dma_start3A_4 : memref<1x128xi32, #tpu.memory_space<vmem>> -> memref<128xi32, #tpu.memory_space<vmem>>
    %dma_start3A_6 = arith.constant 0 : i32
    %dma_start3A_7 = arith.constant 0 : i32
    %dma_start3A_8 = tpu.memref_slice %arg2[%dma_start3A_6, %dma_start3A_7] : memref<20480x128xf32, #tpu.memory_space<hbm>> -> memref<20480x128xf32, #tpu.memory_space<hbm>>
    tpu.enqueue_indirect_dma source(%dma_start3A_8 : memref<20480x128xf32, #tpu.memory_space<hbm>>) target(%arg6 : memref<128x128xf32, #tpu.memory_space<vmem>>) offsets(%dma_start3A_5 : memref<128xi32, #tpu.memory_space<vmem>>) semaphore(%arg10 : memref<!tpu.dma_semaphore, #tpu.memory_space<semaphore_mem>>)
    %dma_start3A_9 = arith.constant 1 : i32
    %dma_start3A_10 = arith.constant 0 : i32
    %dma_start3A_11 = tpu.memref_slice %arg5[%dma_start3A_9, %dma_start3A_10] : memref<25x128xi32, #tpu.memory_space<vmem>> -> memref<1x128xi32, #tpu.memory_space<vmem>>
    %dma_start3A_12 = tpu.memref_squeeze %dma_start3A_11 : memref<1x128xi32, #tpu.memory_space<vmem>> -> memref<128xi32, #tpu.memory_space<vmem>>
    %dma_start3A_13 = arith.constant 0 : i32
    %dma_start3A_14 = arith.constant 0 : i32
    %dma_start3A_15 = tpu.memref_slice %arg2[%dma_start3A_13, %dma_start3A_14] : memref<20480x128xf32, #tpu.memory_space<hbm>> -> memref<20480x128xf32, #tpu.memory_space<hbm>>
    tpu.enqueue_indirect_dma source(%dma_start3A_15 : memref<20480x128xf32, #tpu.memory_space<hbm>>) target(%arg7 : memref<128x128xf32, #tpu.memory_space<vmem>>) offsets(%dma_start3A_12 : memref<128xi32, #tpu.memory_space<vmem>>) semaphore(%arg11 : memref<!tpu.dma_semaphore, #tpu.memory_space<semaphore_mem>>)
    %dma_start3A_16 = arith.constant 2 : i32
    %dma_start3A_17 = arith.constant 0 : i32
    %dma_start3A_18 = tpu.memref_slice %arg5[%dma_start3A_16, %dma_start3A_17] : memref<25x128xi32, #tpu.memory_space<vmem>> -> memref<1x128xi32, #tpu.memory_space<vmem>>
    %dma_start3A_19 = tpu.memref_squeeze %dma_start3A_18 : memref<1x128xi32, #tpu.memory_space<vmem>> -> memref<128xi32, #tpu.memory_space<vmem>>
    %dma_start3A_20 = arith.constant 0 : i32
    %dma_start3A_21 = arith.constant 0 : i32
    %dma_start3A_22 = tpu.memref_slice %arg2[%dma_start3A_20, %dma_start3A_21] : memref<20480x128xf32, #tpu.memory_space<hbm>> -> memref<20480x128xf32, #tpu.memory_space<hbm>>
    tpu.enqueue_indirect_dma source(%dma_start3A_22 : memref<20480x128xf32, #tpu.memory_space<hbm>>) target(%arg8 : memref<128x128xf32, #tpu.memory_space<vmem>>) offsets(%dma_start3A_19 : memref<128xi32, #tpu.memory_space<vmem>>) semaphore(%arg12 : memref<!tpu.dma_semaphore, #tpu.memory_space<semaphore_mem>>)
    %dma_start3A_23 = arith.constant 3 : i32
    %dma_start3A_24 = arith.constant 0 : i32
    %dma_start3A_25 = tpu.memref_slice %arg5[%dma_start3A_23, %dma_start3A_24] : memref<25x128xi32, #tpu.memory_space<vmem>> -> memref<1x128xi32, #tpu.memory_space<vmem>>
    %dma_start3A_26 = tpu.memref_squeeze %dma_start3A_25 : memref<1x128xi32, #tpu.memory_space<vmem>> -> memref<128xi32, #tpu.memory_space<vmem>>
    %dma_start3A_27 = arith.constant 0 : i32
    %dma_start3A_28 = arith.constant 0 : i32
    %dma_start3A_29 = tpu.memref_slice %arg2[%dma_start3A_27, %dma_start3A_28] : memref<20480x128xf32, #tpu.memory_space<hbm>> -> memref<20480x128xf32, #tpu.memory_space<hbm>>
    tpu.enqueue_indirect_dma source(%dma_start3A_29 : memref<20480x128xf32, #tpu.memory_space<hbm>>) target(%arg9 : memref<128x128xf32, #tpu.memory_space<vmem>>) offsets(%dma_start3A_26 : memref<128xi32, #tpu.memory_space<vmem>>) semaphore(%arg13 : memref<!tpu.dma_semaphore, #tpu.memory_space<semaphore_mem>>)
    %scan3A = arith.constant 0 : i32
    %scan3A_30 = arith.constant 0 : i32
    %scan3A_31 = arith.constant 7 : i32
    %scan3A_32 = arith.addi %scan3A_30, %scan3A_31 : i32
    %scan3A_33 = arith.constant 1 : i32
    %scan3A_34 = scf.for %scan3A_67 = %scan3A_30 to %scan3A_32 step %scan3A_33 iter_args(%scan3A_68 = %scan3A) -> (i32)  : i32 {
      %mul3A_69 = arith.constant 4 : i32
      %mul3A_70 = arith.muli %mul3A_69, %scan3A_67 : i32
      %add3A_71 = arith.constant 0 : i32
      %add3A_72 = arith.addi %mul3A_70, %add3A_71 : i32
      %lt3A = arith.constant 25 : i32
      %lt3A_73 = arith.cmpi slt, %add3A_72, %lt3A : i32
      %convert_element_type3A = arith.extui %lt3A_73 : i1 to i32
      %cond3A = arith.constant 0 : i32
      %cond3A_74 = arith.cmpi ne, %convert_element_type3A, %cond3A : i32
      scf.if %cond3A_74 {
        %dma_wait3A_103 = arith.constant 0 : i32
        %dma_wait3A_104 = tpu.memref_slice %arg5[%add3A_72, %dma_wait3A_103] : memref<25x128xi32, #tpu.memory_space<vmem>> -> memref<1x128xi32, #tpu.memory_space<vmem>>
        %dma_wait3A_105 = tpu.memref_squeeze %dma_wait3A_104 : memref<1x128xi32, #tpu.memory_space<vmem>> -> memref<128xi32, #tpu.memory_space<vmem>>
        %dma_wait3A_106 = arith.constant 0 : i32
        %dma_wait3A_107 = arith.constant 0 : i32
        %dma_wait3A_108 = tpu.memref_slice %arg2[%dma_wait3A_106, %dma_wait3A_107] : memref<20480x128xf32, #tpu.memory_space<hbm>> -> memref<20480x128xf32, #tpu.memory_space<hbm>>
        tpu.wait_indirect_dma semaphore(%arg10 : memref<!tpu.dma_semaphore, #tpu.memory_space<semaphore_mem>>) src(%dma_wait3A_108 : memref<20480x128xf32, #tpu.memory_space<hbm>>) dst(%arg6 : memref<128x128xf32, #tpu.memory_space<vmem>>)
        %mul3A_109 = arith.constant 3200 : i32
        %mul3A_110 = arith.muli %add3A, %mul3A_109 : i32
        %mul3A_111 = arith.constant 128 : i32
        %mul3A_112 = arith.muli %add3A_72, %mul3A_111 : i32
        %add3A_113 = arith.addi %mul3A_110, %mul3A_112 : i32
        %dma_start3A_114 = arith.constant 0 : i32
        %dma_start3A_115 = tpu.memref_slice %arg4[%add3A_113, %dma_start3A_114] : memref<102400x128xf32, #tpu.memory_space<hbm>> -> memref<128x128xf32, #tpu.memory_space<hbm>>
        %dma_start3A_116 = arith.constant 0 : i32
        %dma_start3A_117 = tpu.memref_slice %arg4[%add3A_113, %dma_start3A_116] : memref<102400x128xf32, #tpu.memory_space<hbm>> -> memref<128x128xf32, #tpu.memory_space<hbm>>
        tpu.enqueue_dma source(%arg6 : memref<128x128xf32, #tpu.memory_space<vmem>>) target(%dma_start3A_117 : memref<128x128xf32, #tpu.memory_space<hbm>>) target_semaphore(%arg14 : memref<!tpu.dma_semaphore, #tpu.memory_space<semaphore_mem>>)
        %add3A_118 = arith.constant 4 : i32
        %add3A_119 = arith.addi %add3A_72, %add3A_118 : i32
        %lt3A_120 = arith.constant 25 : i32
        %lt3A_121 = arith.cmpi slt, %add3A_119, %lt3A_120 : i32
        %convert_element_type3A_122 = arith.extui %lt3A_121 : i1 to i32
        %cond3A_123 = arith.constant 0 : i32
        %cond3A_124 = arith.cmpi ne, %convert_element_type3A_122, %cond3A_123 : i32
        scf.if %cond3A_124 {
          %mul3A_125 = arith.constant 3200 : i32
          %mul3A_126 = arith.muli %add3A, %mul3A_125 : i32
          %mul3A_127 = arith.constant 128 : i32
          %mul3A_128 = arith.muli %add3A_72, %mul3A_127 : i32
          %add3A_129 = arith.addi %mul3A_126, %mul3A_128 : i32
          %dma_wait3A_130 = arith.constant 0 : i32
          %dma_wait3A_131 = tpu.memref_slice %arg4[%add3A_129, %dma_wait3A_130] : memref<102400x128xf32, #tpu.memory_space<hbm>> -> memref<128x128xf32, #tpu.memory_space<hbm>>
          %dma_wait3A_132 = arith.constant 0 : i32
          %dma_wait3A_133 = tpu.memref_slice %arg4[%add3A_129, %dma_wait3A_132] : memref<102400x128xf32, #tpu.memory_space<hbm>> -> memref<128x128xf32, #tpu.memory_space<hbm>>
          tpu.wait_dma2 semaphore(%arg14 : memref<!tpu.dma_semaphore, #tpu.memory_space<semaphore_mem>>) src(%arg6 : memref<128x128xf32, #tpu.memory_space<vmem>>) dst(%dma_wait3A_133 : memref<128x128xf32, #tpu.memory_space<hbm>>)
          %add3A_134 = arith.constant 4 : i32
          %add3A_135 = arith.addi %add3A_72, %add3A_134 : i32
          %dma_start3A_136 = arith.constant 0 : i32
          %dma_start3A_137 = tpu.memref_slice %arg5[%add3A_135, %dma_start3A_136] : memref<25x128xi32, #tpu.memory_space<vmem>> -> memref<1x128xi32, #tpu.memory_space<vmem>>
          %dma_start3A_138 = tpu.memref_squeeze %dma_start3A_137 : memref<1x128xi32, #tpu.memory_space<vmem>> -> memref<128xi32, #tpu.memory_space<vmem>>
          %dma_start3A_139 = arith.constant 0 : i32
          %dma_start3A_140 = arith.constant 0 : i32
          %dma_start3A_141 = tpu.memref_slice %arg2[%dma_start3A_139, %dma_start3A_140] : memref<20480x128xf32, #tpu.memory_space<hbm>> -> memref<20480x128xf32, #tpu.memory_space<hbm>>
          tpu.enqueue_indirect_dma source(%dma_start3A_141 : memref<20480x128xf32, #tpu.memory_space<hbm>>) target(%arg6 : memref<128x128xf32, #tpu.memory_space<vmem>>) offsets(%dma_start3A_138 : memref<128xi32, #tpu.memory_space<vmem>>) semaphore(%arg10 : memref<!tpu.dma_semaphore, #tpu.memory_space<semaphore_mem>>)
        } else {
        }
      } else {
      }
      %mul3A_75 = arith.constant 4 : i32
      %mul3A_76 = arith.muli %mul3A_75, %scan3A_67 : i32
      %add3A_77 = arith.constant 1 : i32
      %add3A_78 = arith.addi %mul3A_76, %add3A_77 : i32
      %lt3A_79 = arith.constant 25 : i32
      %lt3A_80 = arith.cmpi slt, %add3A_78, %lt3A_79 : i32
      %convert_element_type3A_81 = arith.extui %lt3A_80 : i1 to i32
      %cond3A_82 = arith.constant 0 : i32
      %cond3A_83 = arith.cmpi ne, %convert_element_type3A_81, %cond3A_82 : i32
      scf.if %cond3A_83 {
        %dma_wait3A_103 = arith.constant 0 : i32
        %dma_wait3A_104 = tpu.memref_slice %arg5[%add3A_78, %dma_wait3A_103] : memref<25x128xi32, #tpu.memory_space<vmem>> -> memref<1x128xi32, #tpu.memory_space<vmem>>
        %dma_wait3A_105 = tpu.memref_squeeze %dma_wait3A_104 : memref<1x128xi32, #tpu.memory_space<vmem>> -> memref<128xi32, #tpu.memory_space<vmem>>
        %dma_wait3A_106 = arith.constant 0 : i32
        %dma_wait3A_107 = arith.constant 0 : i32
        %dma_wait3A_108 = tpu.memref_slice %arg2[%dma_wait3A_106, %dma_wait3A_107] : memref<20480x128xf32, #tpu.memory_space<hbm>> -> memref<20480x128xf32, #tpu.memory_space<hbm>>
        tpu.wait_indirect_dma semaphore(%arg11 : memref<!tpu.dma_semaphore, #tpu.memory_space<semaphore_mem>>) src(%dma_wait3A_108 : memref<20480x128xf32, #tpu.memory_space<hbm>>) dst(%arg7 : memref<128x128xf32, #tpu.memory_space<vmem>>)
        %mul3A_109 = arith.constant 3200 : i32
        %mul3A_110 = arith.muli %add3A, %mul3A_109 : i32
        %mul3A_111 = arith.constant 128 : i32
        %mul3A_112 = arith.muli %add3A_78, %mul3A_111 : i32
        %add3A_113 = arith.addi %mul3A_110, %mul3A_112 : i32
        %dma_start3A_114 = arith.constant 0 : i32
        %dma_start3A_115 = tpu.memref_slice %arg4[%add3A_113, %dma_start3A_114] : memref<102400x128xf32, #tpu.memory_space<hbm>> -> memref<128x128xf32, #tpu.memory_space<hbm>>
        %dma_start3A_116 = arith.constant 0 : i32
        %dma_start3A_117 = tpu.memref_slice %arg4[%add3A_113, %dma_start3A_116] : memref<102400x128xf32, #tpu.memory_space<hbm>> -> memref<128x128xf32, #tpu.memory_space<hbm>>
        tpu.enqueue_dma source(%arg7 : memref<128x128xf32, #tpu.memory_space<vmem>>) target(%dma_start3A_117 : memref<128x128xf32, #tpu.memory_space<hbm>>) target_semaphore(%arg15 : memref<!tpu.dma_semaphore, #tpu.memory_space<semaphore_mem>>)
        %add3A_118 = arith.constant 4 : i32
        %add3A_119 = arith.addi %add3A_78, %add3A_118 : i32
        %lt3A_120 = arith.constant 25 : i32
        %lt3A_121 = arith.cmpi slt, %add3A_119, %lt3A_120 : i32
        %convert_element_type3A_122 = arith.extui %lt3A_121 : i1 to i32
        %cond3A_123 = arith.constant 0 : i32
        %cond3A_124 = arith.cmpi ne, %convert_element_type3A_122, %cond3A_123 : i32
        scf.if %cond3A_124 {
          %mul3A_125 = arith.constant 3200 : i32
          %mul3A_126 = arith.muli %add3A, %mul3A_125 : i32
          %mul3A_127 = arith.constant 128 : i32
          %mul3A_128 = arith.muli %add3A_78, %mul3A_127 : i32
          %add3A_129 = arith.addi %mul3A_126, %mul3A_128 : i32
          %dma_wait3A_130 = arith.constant 0 : i32
          %dma_wait3A_131 = tpu.memref_slice %arg4[%add3A_129, %dma_wait3A_130] : memref<102400x128xf32, #tpu.memory_space<hbm>> -> memref<128x128xf32, #tpu.memory_space<hbm>>
          %dma_wait3A_132 = arith.constant 0 : i32
          %dma_wait3A_133 = tpu.memref_slice %arg4[%add3A_129, %dma_wait3A_132] : memref<102400x128xf32, #tpu.memory_space<hbm>> -> memref<128x128xf32, #tpu.memory_space<hbm>>
          tpu.wait_dma2 semaphore(%arg15 : memref<!tpu.dma_semaphore, #tpu.memory_space<semaphore_mem>>) src(%arg7 : memref<128x128xf32, #tpu.memory_space<vmem>>) dst(%dma_wait3A_133 : memref<128x128xf32, #tpu.memory_space<hbm>>)
          %add3A_134 = arith.constant 4 : i32
          %add3A_135 = arith.addi %add3A_78, %add3A_134 : i32
          %dma_start3A_136 = arith.constant 0 : i32
          %dma_start3A_137 = tpu.memref_slice %arg5[%add3A_135, %dma_start3A_136] : memref<25x128xi32, #tpu.memory_space<vmem>> -> memref<1x128xi32, #tpu.memory_space<vmem>>
          %dma_start3A_138 = tpu.memref_squeeze %dma_start3A_137 : memref<1x128xi32, #tpu.memory_space<vmem>> -> memref<128xi32, #tpu.memory_space<vmem>>
          %dma_start3A_139 = arith.constant 0 : i32
          %dma_start3A_140 = arith.constant 0 : i32
          %dma_start3A_141 = tpu.memref_slice %arg2[%dma_start3A_139, %dma_start3A_140] : memref<20480x128xf32, #tpu.memory_space<hbm>> -> memref<20480x128xf32, #tpu.memory_space<hbm>>
          tpu.enqueue_indirect_dma source(%dma_start3A_141 : memref<20480x128xf32, #tpu.memory_space<hbm>>) target(%arg7 : memref<128x128xf32, #tpu.memory_space<vmem>>) offsets(%dma_start3A_138 : memref<128xi32, #tpu.memory_space<vmem>>) semaphore(%arg11 : memref<!tpu.dma_semaphore, #tpu.memory_space<semaphore_mem>>)
        } else {
        }
      } else {
      }
      %mul3A_84 = arith.constant 4 : i32
      %mul3A_85 = arith.muli %mul3A_84, %scan3A_67 : i32
      %add3A_86 = arith.constant 2 : i32
      %add3A_87 = arith.addi %mul3A_85, %add3A_86 : i32
      %lt3A_88 = arith.constant 25 : i32
      %lt3A_89 = arith.cmpi slt, %add3A_87, %lt3A_88 : i32
      %convert_element_type3A_90 = arith.extui %lt3A_89 : i1 to i32
      %cond3A_91 = arith.constant 0 : i32
      %cond3A_92 = arith.cmpi ne, %convert_element_type3A_90, %cond3A_91 : i32
      scf.if %cond3A_92 {
        %dma_wait3A_103 = arith.constant 0 : i32
        %dma_wait3A_104 = tpu.memref_slice %arg5[%add3A_87, %dma_wait3A_103] : memref<25x128xi32, #tpu.memory_space<vmem>> -> memref<1x128xi32, #tpu.memory_space<vmem>>
        %dma_wait3A_105 = tpu.memref_squeeze %dma_wait3A_104 : memref<1x128xi32, #tpu.memory_space<vmem>> -> memref<128xi32, #tpu.memory_space<vmem>>
        %dma_wait3A_106 = arith.constant 0 : i32
        %dma_wait3A_107 = arith.constant 0 : i32
        %dma_wait3A_108 = tpu.memref_slice %arg2[%dma_wait3A_106, %dma_wait3A_107] : memref<20480x128xf32, #tpu.memory_space<hbm>> -> memref<20480x128xf32, #tpu.memory_space<hbm>>
        tpu.wait_indirect_dma semaphore(%arg12 : memref<!tpu.dma_semaphore, #tpu.memory_space<semaphore_mem>>) src(%dma_wait3A_108 : memref<20480x128xf32, #tpu.memory_space<hbm>>) dst(%arg8 : memref<128x128xf32, #tpu.memory_space<vmem>>)
        %mul3A_109 = arith.constant 3200 : i32
        %mul3A_110 = arith.muli %add3A, %mul3A_109 : i32
        %mul3A_111 = arith.constant 128 : i32
        %mul3A_112 = arith.muli %add3A_87, %mul3A_111 : i32
        %add3A_113 = arith.addi %mul3A_110, %mul3A_112 : i32
        %dma_start3A_114 = arith.constant 0 : i32
        %dma_start3A_115 = tpu.memref_slice %arg4[%add3A_113, %dma_start3A_114] : memref<102400x128xf32, #tpu.memory_space<hbm>> -> memref<128x128xf32, #tpu.memory_space<hbm>>
        %dma_start3A_116 = arith.constant 0 : i32
        %dma_start3A_117 = tpu.memref_slice %arg4[%add3A_113, %dma_start3A_116] : memref<102400x128xf32, #tpu.memory_space<hbm>> -> memref<128x128xf32, #tpu.memory_space<hbm>>
        tpu.enqueue_dma source(%arg8 : memref<128x128xf32, #tpu.memory_space<vmem>>) target(%dma_start3A_117 : memref<128x128xf32, #tpu.memory_space<hbm>>) target_semaphore(%arg16 : memref<!tpu.dma_semaphore, #tpu.memory_space<semaphore_mem>>)
        %add3A_118 = arith.constant 4 : i32
        %add3A_119 = arith.addi %add3A_87, %add3A_118 : i32
        %lt3A_120 = arith.constant 25 : i32
        %lt3A_121 = arith.cmpi slt, %add3A_119, %lt3A_120 : i32
        %convert_element_type3A_122 = arith.extui %lt3A_121 : i1 to i32
        %cond3A_123 = arith.constant 0 : i32
        %cond3A_124 = arith.cmpi ne, %convert_element_type3A_122, %cond3A_123 : i32
        scf.if %cond3A_124 {
          %mul3A_125 = arith.constant 3200 : i32
          %mul3A_126 = arith.muli %add3A, %mul3A_125 : i32
          %mul3A_127 = arith.constant 128 : i32
          %mul3A_128 = arith.muli %add3A_87, %mul3A_127 : i32
          %add3A_129 = arith.addi %mul3A_126, %mul3A_128 : i32
          %dma_wait3A_130 = arith.constant 0 : i32
          %dma_wait3A_131 = tpu.memref_slice %arg4[%add3A_129, %dma_wait3A_130] : memref<102400x128xf32, #tpu.memory_space<hbm>> -> memref<128x128xf32, #tpu.memory_space<hbm>>
          %dma_wait3A_132 = arith.constant 0 : i32
          %dma_wait3A_133 = tpu.memref_slice %arg4[%add3A_129, %dma_wait3A_132] : memref<102400x128xf32, #tpu.memory_space<hbm>> -> memref<128x128xf32, #tpu.memory_space<hbm>>
          tpu.wait_dma2 semaphore(%arg16 : memref<!tpu.dma_semaphore, #tpu.memory_space<semaphore_mem>>) src(%arg8 : memref<128x128xf32, #tpu.memory_space<vmem>>) dst(%dma_wait3A_133 : memref<128x128xf32, #tpu.memory_space<hbm>>)
          %add3A_134 = arith.constant 4 : i32
          %add3A_135 = arith.addi %add3A_87, %add3A_134 : i32
          %dma_start3A_136 = arith.constant 0 : i32
          %dma_start3A_137 = tpu.memref_slice %arg5[%add3A_135, %dma_start3A_136] : memref<25x128xi32, #tpu.memory_space<vmem>> -> memref<1x128xi32, #tpu.memory_space<vmem>>
          %dma_start3A_138 = tpu.memref_squeeze %dma_start3A_137 : memref<1x128xi32, #tpu.memory_space<vmem>> -> memref<128xi32, #tpu.memory_space<vmem>>
          %dma_start3A_139 = arith.constant 0 : i32
          %dma_start3A_140 = arith.constant 0 : i32
          %dma_start3A_141 = tpu.memref_slice %arg2[%dma_start3A_139, %dma_start3A_140] : memref<20480x128xf32, #tpu.memory_space<hbm>> -> memref<20480x128xf32, #tpu.memory_space<hbm>>
          tpu.enqueue_indirect_dma source(%dma_start3A_141 : memref<20480x128xf32, #tpu.memory_space<hbm>>) target(%arg8 : memref<128x128xf32, #tpu.memory_space<vmem>>) offsets(%dma_start3A_138 : memref<128xi32, #tpu.memory_space<vmem>>) semaphore(%arg12 : memref<!tpu.dma_semaphore, #tpu.memory_space<semaphore_mem>>)
        } else {
        }
      } else {
      }
      %mul3A_93 = arith.constant 4 : i32
      %mul3A_94 = arith.muli %mul3A_93, %scan3A_67 : i32
      %add3A_95 = arith.constant 3 : i32
      %add3A_96 = arith.addi %mul3A_94, %add3A_95 : i32
      %lt3A_97 = arith.constant 25 : i32
      %lt3A_98 = arith.cmpi slt, %add3A_96, %lt3A_97 : i32
      %convert_element_type3A_99 = arith.extui %lt3A_98 : i1 to i32
      %cond3A_100 = arith.constant 0 : i32
      %cond3A_101 = arith.cmpi ne, %convert_element_type3A_99, %cond3A_100 : i32
      scf.if %cond3A_101 {
        %dma_wait3A_103 = arith.constant 0 : i32
        %dma_wait3A_104 = tpu.memref_slice %arg5[%add3A_96, %dma_wait3A_103] : memref<25x128xi32, #tpu.memory_space<vmem>> -> memref<1x128xi32, #tpu.memory_space<vmem>>
        %dma_wait3A_105 = tpu.memref_squeeze %dma_wait3A_104 : memref<1x128xi32, #tpu.memory_space<vmem>> -> memref<128xi32, #tpu.memory_space<vmem>>
        %dma_wait3A_106 = arith.constant 0 : i32
        %dma_wait3A_107 = arith.constant 0 : i32
        %dma_wait3A_108 = tpu.memref_slice %arg2[%dma_wait3A_106, %dma_wait3A_107] : memref<20480x128xf32, #tpu.memory_space<hbm>> -> memref<20480x128xf32, #tpu.memory_space<hbm>>
        tpu.wait_indirect_dma semaphore(%arg13 : memref<!tpu.dma_semaphore, #tpu.memory_space<semaphore_mem>>) src(%dma_wait3A_108 : memref<20480x128xf32, #tpu.memory_space<hbm>>) dst(%arg9 : memref<128x128xf32, #tpu.memory_space<vmem>>)
        %mul3A_109 = arith.constant 3200 : i32
        %mul3A_110 = arith.muli %add3A, %mul3A_109 : i32
        %mul3A_111 = arith.constant 128 : i32
        %mul3A_112 = arith.muli %add3A_96, %mul3A_111 : i32
        %add3A_113 = arith.addi %mul3A_110, %mul3A_112 : i32
        %dma_start3A_114 = arith.constant 0 : i32
        %dma_start3A_115 = tpu.memref_slice %arg4[%add3A_113, %dma_start3A_114] : memref<102400x128xf32, #tpu.memory_space<hbm>> -> memref<128x128xf32, #tpu.memory_space<hbm>>
        %dma_start3A_116 = arith.constant 0 : i32
        %dma_start3A_117 = tpu.memref_slice %arg4[%add3A_113, %dma_start3A_116] : memref<102400x128xf32, #tpu.memory_space<hbm>> -> memref<128x128xf32, #tpu.memory_space<hbm>>
        tpu.enqueue_dma source(%arg9 : memref<128x128xf32, #tpu.memory_space<vmem>>) target(%dma_start3A_117 : memref<128x128xf32, #tpu.memory_space<hbm>>) target_semaphore(%arg17 : memref<!tpu.dma_semaphore, #tpu.memory_space<semaphore_mem>>)
        %add3A_118 = arith.constant 4 : i32
        %add3A_119 = arith.addi %add3A_96, %add3A_118 : i32
        %lt3A_120 = arith.constant 25 : i32
        %lt3A_121 = arith.cmpi slt, %add3A_119, %lt3A_120 : i32
        %convert_element_type3A_122 = arith.extui %lt3A_121 : i1 to i32
        %cond3A_123 = arith.constant 0 : i32
        %cond3A_124 = arith.cmpi ne, %convert_element_type3A_122, %cond3A_123 : i32
        scf.if %cond3A_124 {
          %mul3A_125 = arith.constant 3200 : i32
          %mul3A_126 = arith.muli %add3A, %mul3A_125 : i32
          %mul3A_127 = arith.constant 128 : i32
          %mul3A_128 = arith.muli %add3A_96, %mul3A_127 : i32
          %add3A_129 = arith.addi %mul3A_126, %mul3A_128 : i32
          %dma_wait3A_130 = arith.constant 0 : i32
          %dma_wait3A_131 = tpu.memref_slice %arg4[%add3A_129, %dma_wait3A_130] : memref<102400x128xf32, #tpu.memory_space<hbm>> -> memref<128x128xf32, #tpu.memory_space<hbm>>
          %dma_wait3A_132 = arith.constant 0 : i32
          %dma_wait3A_133 = tpu.memref_slice %arg4[%add3A_129, %dma_wait3A_132] : memref<102400x128xf32, #tpu.memory_space<hbm>> -> memref<128x128xf32, #tpu.memory_space<hbm>>
          tpu.wait_dma2 semaphore(%arg17 : memref<!tpu.dma_semaphore, #tpu.memory_space<semaphore_mem>>) src(%arg9 : memref<128x128xf32, #tpu.memory_space<vmem>>) dst(%dma_wait3A_133 : memref<128x128xf32, #tpu.memory_space<hbm>>)
          %add3A_134 = arith.constant 4 : i32
          %add3A_135 = arith.addi %add3A_96, %add3A_134 : i32
          %dma_start3A_136 = arith.constant 0 : i32
          %dma_start3A_137 = tpu.memref_slice %arg5[%add3A_135, %dma_start3A_136] : memref<25x128xi32, #tpu.memory_space<vmem>> -> memref<1x128xi32, #tpu.memory_space<vmem>>
          %dma_start3A_138 = tpu.memref_squeeze %dma_start3A_137 : memref<1x128xi32, #tpu.memory_space<vmem>> -> memref<128xi32, #tpu.memory_space<vmem>>
          %dma_start3A_139 = arith.constant 0 : i32
          %dma_start3A_140 = arith.constant 0 : i32
          %dma_start3A_141 = tpu.memref_slice %arg2[%dma_start3A_139, %dma_start3A_140] : memref<20480x128xf32, #tpu.memory_space<hbm>> -> memref<20480x128xf32, #tpu.memory_space<hbm>>
          tpu.enqueue_indirect_dma source(%dma_start3A_141 : memref<20480x128xf32, #tpu.memory_space<hbm>>) target(%arg9 : memref<128x128xf32, #tpu.memory_space<vmem>>) offsets(%dma_start3A_138 : memref<128xi32, #tpu.memory_space<vmem>>) semaphore(%arg13 : memref<!tpu.dma_semaphore, #tpu.memory_space<semaphore_mem>>)
        } else {
        }
      } else {
      }
      %scan3A_102 = arith.constant 0 : i32
      scf.yield %scan3A_102 : i32
    }
    %scan3A_35 = arith.constant 7 : i32
    %mul3A_36 = arith.constant 3200 : i32
    %mul3A_37 = arith.muli %add3A, %mul3A_36 : i32
    %add3A_38 = arith.constant 3072 : i32
    %add3A_39 = arith.addi %mul3A_37, %add3A_38 : i32
    %dma_wait3A = arith.constant 0 : i32
    %dma_wait3A_40 = tpu.memref_slice %arg4[%add3A_39, %dma_wait3A] : memref<102400x128xf32, #tpu.memory_space<hbm>> -> memref<128x128xf32, #tpu.memory_space<hbm>>
    %dma_wait3A_41 = arith.constant 0 : i32
    %dma_wait3A_42 = tpu.memref_slice %arg4[%add3A_39, %dma_wait3A_41] : memref<102400x128xf32, #tpu.memory_space<hbm>> -> memref<128x128xf32, #tpu.memory_space<hbm>>
    tpu.wait_dma2 semaphore(%arg14 : memref<!tpu.dma_semaphore, #tpu.memory_space<semaphore_mem>>) src(%arg6 : memref<128x128xf32, #tpu.memory_space<vmem>>) dst(%dma_wait3A_42 : memref<128x128xf32, #tpu.memory_space<hbm>>)
    %mul3A_43 = arith.constant 3200 : i32
    %mul3A_44 = arith.muli %add3A, %mul3A_43 : i32
    %add3A_45 = arith.constant 2688 : i32
    %add3A_46 = arith.addi %mul3A_44, %add3A_45 : i32
    %dma_wait3A_47 = arith.constant 0 : i32
    %dma_wait3A_48 = tpu.memref_slice %arg4[%add3A_46, %dma_wait3A_47] : memref<102400x128xf32, #tpu.memory_space<hbm>> -> memref<128x128xf32, #tpu.memory_space<hbm>>
    %dma_wait3A_49 = arith.constant 0 : i32
    %dma_wait3A_50 = tpu.memref_slice %arg4[%add3A_46, %dma_wait3A_49] : memref<102400x128xf32, #tpu.memory_space<hbm>> -> memref<128x128xf32, #tpu.memory_space<hbm>>
    tpu.wait_dma2 semaphore(%arg15 : memref<!tpu.dma_semaphore, #tpu.memory_space<semaphore_mem>>) src(%arg7 : memref<128x128xf32, #tpu.memory_space<vmem>>) dst(%dma_wait3A_50 : memref<128x128xf32, #tpu.memory_space<hbm>>)
    %mul3A_51 = arith.constant 3200 : i32
    %mul3A_52 = arith.muli %add3A, %mul3A_51 : i32
    %add3A_53 = arith.constant 2816 : i32
    %add3A_54 = arith.addi %mul3A_52, %add3A_53 : i32
    %dma_wait3A_55 = arith.constant 0 : i32
    %dma_wait3A_56 = tpu.memref_slice %arg4[%add3A_54, %dma_wait3A_55] : memref<102400x128xf32, #tpu.memory_space<hbm>> -> memref<128x128xf32, #tpu.memory_space<hbm>>
    %dma_wait3A_57 = arith.constant 0 : i32
    %dma_wait3A_58 = tpu.memref_slice %arg4[%add3A_54, %dma_wait3A_57] : memref<102400x128xf32, #tpu.memory_space<hbm>> -> memref<128x128xf32, #tpu.memory_space<hbm>>
    tpu.wait_dma2 semaphore(%arg16 : memref<!tpu.dma_semaphore, #tpu.memory_space<semaphore_mem>>) src(%arg8 : memref<128x128xf32, #tpu.memory_space<vmem>>) dst(%dma_wait3A_58 : memref<128x128xf32, #tpu.memory_space<hbm>>)
    %mul3A_59 = arith.constant 3200 : i32
    %mul3A_60 = arith.muli %add3A, %mul3A_59 : i32
    %add3A_61 = arith.constant 2944 : i32
    %add3A_62 = arith.addi %mul3A_60, %add3A_61 : i32
    %dma_wait3A_63 = arith.constant 0 : i32
    %dma_wait3A_64 = tpu.memref_slice %arg4[%add3A_62, %dma_wait3A_63] : memref<102400x128xf32, #tpu.memory_space<hbm>> -> memref<128x128xf32, #tpu.memory_space<hbm>>
    %dma_wait3A_65 = arith.constant 0 : i32
    %dma_wait3A_66 = tpu.memref_slice %arg4[%add3A_62, %dma_wait3A_65] : memref<102400x128xf32, #tpu.memory_space<hbm>> -> memref<128x128xf32, #tpu.memory_space<hbm>>
    tpu.wait_dma2 semaphore(%arg17 : memref<!tpu.dma_semaphore, #tpu.memory_space<semaphore_mem>>) src(%arg9 : memref<128x128xf32, #tpu.memory_space<vmem>>) dst(%dma_wait3A_66 : memref<128x128xf32, #tpu.memory_space<hbm>>)
    return
  }
}

module attributes {stable_mosaic.version = 14 : i64} {
  func.func @_s0_body(%arg0: i32, %arg1: memref<4x4096xf32, #tpu.memory_space<vmem>>, %arg2: memref<4x256xf32, #tpu.memory_space<vmem>>, %arg3: memref<1x256xf32, #tpu.memory_space<vmem>>, %arg4: memref<2x4096x128xf32, #tpu.memory_space<vmem>>) attributes {dimension_semantics = [#tpu.dimension_semantics<arbitrary>], iteration_bounds = array<i64: 25>, scalar_prefetch = 0 : i64, scratch_operands = 0 : i64, tpu.core_type = #tpu.core_type<tc>, window_params = [{transform_indices = @transform_0, window_bounds = array<i64: 4, 4096>}, {pipeline_mode = #tpu.pipeline_mode<synchronous>, transform_indices = @transform_1, window_bounds = array<i64: 4, 256>}, {pipeline_mode = #tpu.pipeline_mode<synchronous>, transform_indices = @transform_2, window_bounds = array<i64: 1, 256>}, {transform_indices = @transform_3, window_bounds = array<i64: 2, 4096, 128>}]} {
    %get3A = arith.constant 0 : index
    %get3A_0 = arith.constant 0 : index
    %get3A_1 = vector.load %arg1[%get3A, %get3A_0] : memref<4x4096xf32, #tpu.memory_space<vmem>>, vector<4x4096xf32>
    %get3A_2 = arith.constant 0 : index
    %get3A_3 = arith.constant 0 : index
    %get3A_4 = vector.load %arg2[%get3A_2, %get3A_3] : memref<4x256xf32, #tpu.memory_space<vmem>>, vector<4x256xf32>
    %dot_general3A = arith.constant dense<0.000000e+00> : vector<4096x256xf32>
    %dot_general3A_5 = tpu.matmul %get3A_1, %get3A_4, %dot_general3A {dimension_numbers = #tpu.dot_dimension_numbers<[0], [0], [1], [1], [0, 1, 1, 1], [], []>, transpose_lhs_hint = false} : vector<4x4096xf32>, vector<4x256xf32>, vector<4096x256xf32> -> vector<4096x256xf32>
    %get3A_6 = arith.constant 0 : index
    %get3A_7 = arith.constant 0 : index
    %get3A_8 = vector.load %arg3[%get3A_6, %get3A_7] : memref<1x256xf32, #tpu.memory_space<vmem>>, vector<1x256xf32>
    %add3A = vector.broadcast %get3A_8 : vector<1x256xf32> to vector<4096x256xf32>
    %add3A_9 = arith.addf %dot_general3A_5, %add3A : vector<4096x256xf32>
    %max3A = arith.constant 0.000000e+00 : f32
    %max3A_10 = vector.broadcast %max3A : f32 to vector<4096x256xf32>
    %max3A_11 = arith.maximumf %add3A_9, %max3A_10 : vector<4096x256xf32>
    %mul3A = arith.constant 4096 : i32
    %mul3A_12 = arith.muli %arg0, %mul3A : i32
    %iota3A = tpu.iota {dimensions = array<i32: 0>} : vector<4096x1xi32>
    %add3A_13 = vector.broadcast %mul3A_12 : i32 to vector<4096x1xi32>
    %add3A_14 = arith.addi %add3A_13, %iota3A : vector<4096x1xi32>
    %lt3A = arith.constant 100000 : i32
    %lt3A_15 = vector.broadcast %lt3A : i32 to vector<4096x1xi32>
    %lt3A_16 = arith.cmpi slt, %add3A_14, %lt3A_15 : vector<4096x1xi32>
    %jit3A = arith.constant 0.000000e+00 : f32
    %broadcast_in_dim3A = vector.shape_cast %lt3A_16 : vector<4096x1xi1> to vector<4096x1xi1>
    %broadcast_in_dim3A_17 = vector.broadcast %broadcast_in_dim3A : vector<4096x1xi1> to vector<4096x256xi1>
    %broadcast_in_dim3A_18 = vector.broadcast %jit3A : f32 to vector<4096x256xf32>
    %select_n3A = arith.select %broadcast_in_dim3A_17, %max3A_11, %broadcast_in_dim3A_18 : vector<4096x256xi1>, vector<4096x256xf32>
    %slice3A = vector.extract_strided_slice %select_n3A {offsets = [0, 0], sizes = [4096, 128], strides = [1, 1]} : vector<4096x256xf32> to vector<4096x128xf32>
    %swap3A = arith.constant 0 : index
    %swap3A_19 = arith.constant 0 : index
    %swap3A_20 = arith.constant 0 : index
    %swap3A_21 = vector.load %arg4[%swap3A, %swap3A_19, %swap3A_20] : memref<2x4096x128xf32, #tpu.memory_space<vmem>>, vector<1x4096x128xf32>
    %swap3A_22 = vector.shape_cast %swap3A_21 : vector<1x4096x128xf32> to vector<4096x128xf32>
    %swap3A_23 = vector.shape_cast %slice3A : vector<4096x128xf32> to vector<1x4096x128xf32>
    tpu.vector_store %arg4[%swap3A, %swap3A_19, %swap3A_20], %swap3A_23 {strides = array<i32>} : memref<2x4096x128xf32, #tpu.memory_space<vmem>>, vector<1x4096x128xf32>,
    %slice3A_24 = vector.extract_strided_slice %select_n3A {offsets = [0, 128], sizes = [4096, 128], strides = [1, 1]} : vector<4096x256xf32> to vector<4096x128xf32>
    %swap3A_25 = arith.constant 1 : index
    %swap3A_26 = arith.constant 0 : index
    %swap3A_27 = arith.constant 0 : index
    %swap3A_28 = vector.load %arg4[%swap3A_25, %swap3A_26, %swap3A_27] : memref<2x4096x128xf32, #tpu.memory_space<vmem>>, vector<1x4096x128xf32>
    %swap3A_29 = vector.shape_cast %swap3A_28 : vector<1x4096x128xf32> to vector<4096x128xf32>
    %swap3A_30 = vector.shape_cast %slice3A_24 : vector<4096x128xf32> to vector<1x4096x128xf32>
    tpu.vector_store %arg4[%swap3A_25, %swap3A_26, %swap3A_27], %swap3A_30 {strides = array<i32>} : memref<2x4096x128xf32, #tpu.memory_space<vmem>>, vector<1x4096x128xf32>,
    return
  }
  func.func @transform_0(%arg0: i32) -> (i32, i32) {
    %c0_i32 = arith.constant 0 : i32
    %c0_i32_0 = arith.constant 0 : i32
    return %c0_i32, %arg0 : i32, i32
  }
  func.func @transform_1(%arg0: i32) -> (i32, i32) {
    %c0_i32 = arith.constant 0 : i32
    %c0_i32_0 = arith.constant 0 : i32
    %c0_i32_1 = arith.constant 0 : i32
    return %c0_i32, %c0_i32_0 : i32, i32
  }
  func.func @transform_2(%arg0: i32) -> (i32, i32) {
    %c0_i32 = arith.constant 0 : i32
    %c0_i32_0 = arith.constant 0 : i32
    %c0_i32_1 = arith.constant 0 : i32
    return %c0_i32, %c0_i32_0 : i32, i32
  }
  func.func @transform_3(%arg0: i32) -> (i32, i32, i32) {
    %c0_i32 = arith.constant 0 : i32
    %c0_i32_0 = arith.constant 0 : i32
    %c0_i32_1 = arith.constant 0 : i32
    return %c0_i32, %arg0, %c0_i32_0 : i32, i32, i32
  }
}

module attributes {stable_mosaic.version = 14 : i64} {
  func.func @_s2_body(%arg0: i32, %arg1: memref<2x1024x128xf32, #tpu.memory_space<vmem>>, %arg2: memref<32x20480xf32, #tpu.memory_space<vmem>>, %arg3: memref<256x256xf32, #tpu.memory_space<vmem>>, %arg4: memref<1x256xf32, #tpu.memory_space<vmem>>, %arg5: memref<256x96xf32, #tpu.memory_space<vmem>>, %arg6: memref<1024x128xf32, #tpu.memory_space<vmem>>) attributes {dimension_semantics = [#tpu.dimension_semantics<arbitrary>], iteration_bounds = array<i64: 20>, scalar_prefetch = 0 : i64, scratch_operands = 0 : i64, tpu.core_type = #tpu.core_type<tc>, window_params = [{transform_indices = @transform_0, window_bounds = array<i64: 2, 1024, 128>}, {pipeline_mode = #tpu.pipeline_mode<synchronous>, transform_indices = @transform_1, window_bounds = array<i64: 32, 20480>}, {pipeline_mode = #tpu.pipeline_mode<synchronous>, transform_indices = @transform_2, window_bounds = array<i64: 256, 256>}, {pipeline_mode = #tpu.pipeline_mode<synchronous>, transform_indices = @transform_3, window_bounds = array<i64: 1, 256>}, {pipeline_mode = #tpu.pipeline_mode<synchronous>, transform_indices = @transform_4, window_bounds = array<i64: 256, 96>}, {transform_indices = @transform_5, window_bounds = array<i64: 1024, 128>}]} {
    %mul3A = arith.constant 1024 : i32
    %mul3A_0 = arith.muli %arg0, %mul3A : i32
    %get3A = arith.constant 0 : index
    %get3A_1 = arith.index_cast %mul3A_0 : i32 to index
    %get3A_2 = vector.load %arg2[%get3A, %get3A_1] : memref<32x20480xf32, #tpu.memory_space<vmem>>, vector<32x1024xf32>
    %reduce_sum3A = arith.constant dense<0.000000e+00> : vector<1024xf32>
    %reduce_sum3A_3 = vector.multi_reduction <add>, %get3A_2, %reduce_sum3A [0] : vector<32x1024xf32> to vector<1024xf32>
    %broadcast_in_dim3A = vector.shape_cast %reduce_sum3A_3 : vector<1024xf32> to vector<1024x1xf32>
    %get3A_4 = arith.constant 0 : index
    %get3A_5 = arith.constant 0 : index
    %get3A_6 = arith.constant 0 : index
    %get3A_7 = vector.load %arg1[%get3A_4, %get3A_5, %get3A_6] : memref<2x1024x128xf32, #tpu.memory_space<vmem>>, vector<1x1024x128xf32>
    %get3A_8 = vector.shape_cast %get3A_7 : vector<1x1024x128xf32> to vector<1024x128xf32>
    %get3A_9 = arith.constant 1 : index
    %get3A_10 = arith.constant 0 : index
    %get3A_11 = arith.constant 0 : index
    %get3A_12 = vector.load %arg1[%get3A_9, %get3A_10, %get3A_11] : memref<2x1024x128xf32, #tpu.memory_space<vmem>>, vector<1x1024x128xf32>
    %get3A_13 = vector.shape_cast %get3A_12 : vector<1x1024x128xf32> to vector<1024x128xf32>
    %concatenate3A = tpu.concatenate %get3A_8, %get3A_13 in 1 : vector<1024x128xf32>, vector<1024x128xf32> -> vector<1024x256xf32>
    %max3A = arith.constant 1.000000e+00 : f32
    %max3A_14 = vector.broadcast %max3A : f32 to vector<1024x1xf32>
    %max3A_15 = arith.maximumf %broadcast_in_dim3A, %max3A_14 : vector<1024x1xf32>
    %div3A = vector.broadcast %max3A_15 : vector<1024x1xf32> to vector<1024x256xf32>
    %div3A_16 = arith.divf %concatenate3A, %div3A : vector<1024x256xf32>
    %get3A_17 = arith.constant 0 : index
    %get3A_18 = arith.constant 0 : index
    %get3A_19 = vector.load %arg3[%get3A_17, %get3A_18] : memref<256x256xf32, #tpu.memory_space<vmem>>, vector<256x256xf32>
    %dot_general3A = arith.constant dense<0.000000e+00> : vector<1024x256xf32>
    %dot_general3A_20 = tpu.matmul %div3A_16, %get3A_19, %dot_general3A {dimension_numbers = #tpu.dot_dimension_numbers<[1], [0], [0], [1], [0, 0, 1, 1], [], []>, transpose_lhs_hint = false} : vector<1024x256xf32>, vector<256x256xf32>, vector<1024x256xf32> -> vector<1024x256xf32>
    %get3A_21 = arith.constant 0 : index
    %get3A_22 = arith.constant 0 : index
    %get3A_23 = vector.load %arg4[%get3A_21, %get3A_22] : memref<1x256xf32, #tpu.memory_space<vmem>>, vector<1x256xf32>
    %add3A = vector.broadcast %get3A_23 : vector<1x256xf32> to vector<1024x256xf32>
    %add3A_24 = arith.addf %dot_general3A_20, %add3A : vector<1024x256xf32>
    %max3A_25 = arith.constant 0.000000e+00 : f32
    %max3A_26 = vector.broadcast %max3A_25 : f32 to vector<1024x256xf32>
    %max3A_27 = arith.maximumf %add3A_24, %max3A_26 : vector<1024x256xf32>
    %get3A_28 = arith.constant 0 : index
    %get3A_29 = arith.constant 0 : index
    %get3A_30 = vector.load %arg5[%get3A_28, %get3A_29] : memref<256x96xf32, #tpu.memory_space<vmem>>, vector<256x96xf32>
    %dot_general3A_31 = arith.constant dense<0.000000e+00> : vector<1024x96xf32>
    %dot_general3A_32 = tpu.matmul %max3A_27, %get3A_30, %dot_general3A_31 {dimension_numbers = #tpu.dot_dimension_numbers<[1], [0], [0], [1], [0, 0, 1, 1], [], []>, transpose_lhs_hint = false} : vector<1024x256xf32>, vector<256x96xf32>, vector<1024x96xf32> -> vector<1024x96xf32>
    %broadcast_in_dim3A_33 = arith.constant 0.000000e+00 : f32
    %broadcast_in_dim3A_34 = vector.broadcast %broadcast_in_dim3A_33 : f32 to vector<1024x32xf32>
    %concatenate3A_35 = tpu.concatenate %dot_general3A_32, %broadcast_in_dim3A_34 in 1 : vector<1024x96xf32>, vector<1024x32xf32> -> vector<1024x128xf32>
    %swap3A = arith.constant 0 : index
    %swap3A_36 = arith.constant 0 : index
    %swap3A_37 = vector.load %arg6[%swap3A, %swap3A_36] : memref<1024x128xf32, #tpu.memory_space<vmem>>, vector<1024x128xf32>
    tpu.vector_store %arg6[%swap3A, %swap3A_36], %concatenate3A_35 {strides = array<i32>} : memref<1024x128xf32, #tpu.memory_space<vmem>>, vector<1024x128xf32>,
    return
  }
  func.func @transform_0(%arg0: i32) -> (i32, i32, i32) {
    %c0_i32 = arith.constant 0 : i32
    %c0_i32_0 = arith.constant 0 : i32
    %c0_i32_1 = arith.constant 0 : i32
    return %c0_i32, %arg0, %c0_i32_0 : i32, i32, i32
  }
  func.func @transform_1(%arg0: i32) -> (i32, i32) {
    %c0_i32 = arith.constant 0 : i32
    %c0_i32_0 = arith.constant 0 : i32
    %c0_i32_1 = arith.constant 0 : i32
    return %c0_i32, %c0_i32_0 : i32, i32
  }
  func.func @transform_2(%arg0: i32) -> (i32, i32) {
    %c0_i32 = arith.constant 0 : i32
    %c0_i32_0 = arith.constant 0 : i32
    %c0_i32_1 = arith.constant 0 : i32
    return %c0_i32, %c0_i32_0 : i32, i32
  }
  func.func @transform_3(%arg0: i32) -> (i32, i32) {
    %c0_i32 = arith.constant 0 : i32
    %c0_i32_0 = arith.constant 0 : i32
    %c0_i32_1 = arith.constant 0 : i32
    return %c0_i32, %c0_i32_0 : i32, i32
  }
  func.func @transform_4(%arg0: i32) -> (i32, i32) {
    %c0_i32 = arith.constant 0 : i32
    %c0_i32_0 = arith.constant 0 : i32
    %c0_i32_1 = arith.constant 0 : i32
    return %c0_i32, %c0_i32_0 : i32, i32
  }
  func.func @transform_5(%arg0: i32) -> (i32, i32) {
    %c0_i32 = arith.constant 0 : i32
    %c0_i32_0 = arith.constant 0 : i32
    return %arg0, %c0_i32 : i32, i32
  }
}

module attributes {stable_mosaic.version = 14 : i64} {
  func.func @_s4_body(%arg0: i32, %arg1: memref<4x4096xf32, #tpu.memory_space<vmem>>, %arg2: memref<4096x128xf32, #tpu.memory_space<vmem>>, %arg3: memref<256x4xf32, #tpu.memory_space<vmem>>, %arg4: memref<256x1xf32, #tpu.memory_space<vmem>>, %arg5: memref<96x256xf32, #tpu.memory_space<vmem>>, %arg6: memref<96x1xf32, #tpu.memory_space<vmem>>, %arg7: memref<19x96xf32, #tpu.memory_space<vmem>>, %arg8: memref<19x1xf32, #tpu.memory_space<vmem>>, %arg9: memref<19x96xf32, #tpu.memory_space<vmem>>, %arg10: memref<19x1xf32, #tpu.memory_space<vmem>>, %arg11: memref<96x4096xf32, #tpu.memory_space<vmem>>, %arg12: memref<19x4096xf32, #tpu.memory_space<vmem>>, %arg13: memref<19x4096xf32, #tpu.memory_space<vmem>>) attributes {dimension_semantics = [#tpu.dimension_semantics<arbitrary>], iteration_bounds = array<i64: 25>, scalar_prefetch = 0 : i64, scratch_operands = 0 : i64, tpu.core_type = #tpu.core_type<tc>, window_params = [{transform_indices = @transform_0, window_bounds = array<i64: 4, 4096>}, {transform_indices = @transform_1, window_bounds = array<i64: 4096, 128>}, {pipeline_mode = #tpu.pipeline_mode<synchronous>, transform_indices = @transform_2, window_bounds = array<i64: 256, 4>}, {pipeline_mode = #tpu.pipeline_mode<synchronous>, transform_indices = @transform_3, window_bounds = array<i64: 256, 1>}, {pipeline_mode = #tpu.pipeline_mode<synchronous>, transform_indices = @transform_4, window_bounds = array<i64: 96, 256>}, {pipeline_mode = #tpu.pipeline_mode<synchronous>, transform_indices = @transform_5, window_bounds = array<i64: 96, 1>}, {pipeline_mode = #tpu.pipeline_mode<synchronous>, transform_indices = @transform_6, window_bounds = array<i64: 19, 96>}, {pipeline_mode = #tpu.pipeline_mode<synchronous>, transform_indices = @transform_7, window_bounds = array<i64: 19, 1>}, {pipeline_mode = #tpu.pipeline_mode<synchronous>, transform_indices = @transform_8, window_bounds = array<i64: 19, 96>}, {pipeline_mode = #tpu.pipeline_mode<synchronous>, transform_indices = @transform_9, window_bounds = array<i64: 19, 1>}, {transform_indices = @transform_10, window_bounds = array<i64: 96, 4096>}, {transform_indices = @transform_11, window_bounds = array<i64: 19, 4096>}, {transform_indices = @transform_12, window_bounds = array<i64: 19, 4096>}]} {
    %get3A = arith.constant 0 : index
    %get3A_0 = arith.constant 0 : index
    %get3A_1 = vector.load %arg4[%get3A, %get3A_0] : memref<256x1xf32, #tpu.memory_space<vmem>>, vector<256x1xf32>
    %get3A_2 = arith.constant 0 : index
    %get3A_3 = arith.constant 0 : index
    %get3A_4 = vector.load %arg3[%get3A_2, %get3A_3] : memref<256x4xf32, #tpu.memory_space<vmem>>, vector<256x1xf32>
    %get3A_5 = arith.constant 0 : index
    %get3A_6 = arith.constant 0 : index
    %get3A_7 = vector.load %arg1[%get3A_5, %get3A_6] : memref<4x4096xf32, #tpu.memory_space<vmem>>, vector<1x4096xf32>
    %mul3A = vector.broadcast %get3A_4 : vector<256x1xf32> to vector<256x4096xf32>
    %mul3A_8 = vector.broadcast %get3A_7 : vector<1x4096xf32> to vector<256x4096xf32>
    %mul3A_9 = arith.mulf %mul3A, %mul3A_8 : vector<256x4096xf32>
    %add3A = vector.broadcast %get3A_1 : vector<256x1xf32> to vector<256x4096xf32>
    %add3A_10 = arith.addf %add3A, %mul3A_9 : vector<256x4096xf32>
    %get3A_11 = arith.constant 0 : index
    %get3A_12 = arith.constant 1 : index
    %get3A_13 = vector.load %arg3[%get3A_11, %get3A_12] : memref<256x4xf32, #tpu.memory_space<vmem>>, vector<256x1xf32>
    %get3A_14 = arith.constant 1 : index
    %get3A_15 = arith.constant 0 : index
    %get3A_16 = vector.load %arg1[%get3A_14, %get3A_15] : memref<4x4096xf32, #tpu.memory_space<vmem>>, vector<1x4096xf32>
    %mul3A_17 = vector.broadcast %get3A_13 : vector<256x1xf32> to vector<256x4096xf32>
    %mul3A_18 = vector.broadcast %get3A_16 : vector<1x4096xf32> to vector<256x4096xf32>
    %mul3A_19 = arith.mulf %mul3A_17, %mul3A_18 : vector<256x4096xf32>
    %add3A_20 = arith.addf %add3A_10, %mul3A_19 : vector<256x4096xf32>
    %get3A_21 = arith.constant 0 : index
    %get3A_22 = arith.constant 2 : index
    %get3A_23 = vector.load %arg3[%get3A_21, %get3A_22] : memref<256x4xf32, #tpu.memory_space<vmem>>, vector<256x1xf32>
    %get3A_24 = arith.constant 2 : index
    %get3A_25 = arith.constant 0 : index
    %get3A_26 = vector.load %arg1[%get3A_24, %get3A_25] : memref<4x4096xf32, #tpu.memory_space<vmem>>, vector<1x4096xf32>
    %mul3A_27 = vector.broadcast %get3A_23 : vector<256x1xf32> to vector<256x4096xf32>
    %mul3A_28 = vector.broadcast %get3A_26 : vector<1x4096xf32> to vector<256x4096xf32>
    %mul3A_29 = arith.mulf %mul3A_27, %mul3A_28 : vector<256x4096xf32>
    %add3A_30 = arith.addf %add3A_20, %mul3A_29 : vector<256x4096xf32>
    %get3A_31 = arith.constant 0 : index
    %get3A_32 = arith.constant 3 : index
    %get3A_33 = vector.load %arg3[%get3A_31, %get3A_32] : memref<256x4xf32, #tpu.memory_space<vmem>>, vector<256x1xf32>
    %get3A_34 = arith.constant 3 : index
    %get3A_35 = arith.constant 0 : index
    %get3A_36 = vector.load %arg1[%get3A_34, %get3A_35] : memref<4x4096xf32, #tpu.memory_space<vmem>>, vector<1x4096xf32>
    %mul3A_37 = vector.broadcast %get3A_33 : vector<256x1xf32> to vector<256x4096xf32>
    %mul3A_38 = vector.broadcast %get3A_36 : vector<1x4096xf32> to vector<256x4096xf32>
    %mul3A_39 = arith.mulf %mul3A_37, %mul3A_38 : vector<256x4096xf32>
    %add3A_40 = arith.addf %add3A_30, %mul3A_39 : vector<256x4096xf32>
    %max3A = arith.constant 0.000000e+00 : f32
    %max3A_41 = vector.broadcast %max3A : f32 to vector<256x4096xf32>
    %max3A_42 = arith.maximumf %add3A_40, %max3A_41 : vector<256x4096xf32>
    %get3A_43 = arith.constant 0 : index
    %get3A_44 = arith.constant 0 : index
    %get3A_45 = vector.load %arg2[%get3A_43, %get3A_44] : memref<4096x128xf32, #tpu.memory_space<vmem>>, vector<4096x128xf32>
    %transpose3A = tpu.transpose %get3A_45, [1, 0] : vector<4096x128xf32> -> vector<128x4096xf32>
    %get3A_46 = arith.constant 0 : index
    %get3A_47 = arith.constant 0 : index
    %get3A_48 = vector.load %arg5[%get3A_46, %get3A_47] : memref<96x256xf32, #tpu.memory_space<vmem>>, vector<96x256xf32>
    %dot_general3A = arith.constant dense<0.000000e+00> : vector<96x4096xf32>
    %dot_general3A_49 = tpu.matmul %get3A_48, %max3A_42, %dot_general3A {dimension_numbers = #tpu.dot_dimension_numbers<[1], [0], [0], [1], [0, 0, 1, 1], [], []>, transpose_lhs_hint = false} : vector<96x256xf32>, vector<256x4096xf32>, vector<96x4096xf32> -> vector<96x4096xf32>
    %slice3A = vector.extract_strided_slice %transpose3A {offsets = [0, 0], sizes = [96, 4096], strides = [1, 1]} : vector<128x4096xf32> to vector<96x4096xf32>
    %add3A_50 = arith.addf %dot_general3A_49, %slice3A : vector<96x4096xf32>
    %get3A_51 = arith.constant 0 : index
    %get3A_52 = arith.constant 0 : index
    %get3A_53 = vector.load %arg6[%get3A_51, %get3A_52] : memref<96x1xf32, #tpu.memory_space<vmem>>, vector<96x1xf32>
    %add3A_54 = vector.broadcast %get3A_53 : vector<96x1xf32> to vector<96x4096xf32>
    %add3A_55 = arith.addf %add3A_50, %add3A_54 : vector<96x4096xf32>
    %max3A_56 = arith.constant 0.000000e+00 : f32
    %max3A_57 = vector.broadcast %max3A_56 : f32 to vector<96x4096xf32>
    %max3A_58 = arith.maximumf %add3A_55, %max3A_57 : vector<96x4096xf32>
    %swap3A = arith.constant 0 : index
    %swap3A_59 = arith.constant 0 : index
    %swap3A_60 = vector.load %arg11[%swap3A, %swap3A_59] : memref<96x4096xf32, #tpu.memory_space<vmem>>, vector<96x4096xf32>
    tpu.vector_store %arg11[%swap3A, %swap3A_59], %max3A_58 {strides = array<i32>} : memref<96x4096xf32, #tpu.memory_space<vmem>>, vector<96x4096xf32>,
    %get3A_61 = arith.constant 0 : index
    %get3A_62 = arith.constant 0 : index
    %get3A_63 = vector.load %arg7[%get3A_61, %get3A_62] : memref<19x96xf32, #tpu.memory_space<vmem>>, vector<19x96xf32>
    %dot_general3A_64 = arith.constant dense<0.000000e+00> : vector<19x4096xf32>
    %dot_general3A_65 = tpu.matmul %get3A_63, %max3A_58, %dot_general3A_64 {dimension_numbers = #tpu.dot_dimension_numbers<[1], [0], [0], [1], [0, 0, 1, 1], [], []>, transpose_lhs_hint = false} : vector<19x96xf32>, vector<96x4096xf32>, vector<19x4096xf32> -> vector<19x4096xf32>
    %get3A_66 = arith.constant 0 : index
    %get3A_67 = arith.constant 0 : index
    %get3A_68 = vector.load %arg8[%get3A_66, %get3A_67] : memref<19x1xf32, #tpu.memory_space<vmem>>, vector<19x1xf32>
    %add3A_69 = vector.broadcast %get3A_68 : vector<19x1xf32> to vector<19x4096xf32>
    %add3A_70 = arith.addf %dot_general3A_65, %add3A_69 : vector<19x4096xf32>
    %swap3A_71 = arith.constant 0 : index
    %swap3A_72 = arith.constant 0 : index
    %swap3A_73 = vector.load %arg12[%swap3A_71, %swap3A_72] : memref<19x4096xf32, #tpu.memory_space<vmem>>, vector<19x4096xf32>
    tpu.vector_store %arg12[%swap3A_71, %swap3A_72], %add3A_70 {strides = array<i32>} : memref<19x4096xf32, #tpu.memory_space<vmem>>, vector<19x4096xf32>,
    %get3A_74 = arith.constant 0 : index
    %get3A_75 = arith.constant 0 : index
    %get3A_76 = vector.load %arg9[%get3A_74, %get3A_75] : memref<19x96xf32, #tpu.memory_space<vmem>>, vector<19x96xf32>
    %dot_general3A_77 = arith.constant dense<0.000000e+00> : vector<19x4096xf32>
    %dot_general3A_78 = tpu.matmul %get3A_76, %max3A_58, %dot_general3A_77 {dimension_numbers = #tpu.dot_dimension_numbers<[1], [0], [0], [1], [0, 0, 1, 1], [], []>, transpose_lhs_hint = false} : vector<19x96xf32>, vector<96x4096xf32>, vector<19x4096xf32> -> vector<19x4096xf32>
    %get3A_79 = arith.constant 0 : index
    %get3A_80 = arith.constant 0 : index
    %get3A_81 = vector.load %arg10[%get3A_79, %get3A_80] : memref<19x1xf32, #tpu.memory_space<vmem>>, vector<19x1xf32>
    %add3A_82 = vector.broadcast %get3A_81 : vector<19x1xf32> to vector<19x4096xf32>
    %add3A_83 = arith.addf %dot_general3A_78, %add3A_82 : vector<19x4096xf32>
    %swap3A_84 = arith.constant 0 : index
    %swap3A_85 = arith.constant 0 : index
    %swap3A_86 = vector.load %arg13[%swap3A_84, %swap3A_85] : memref<19x4096xf32, #tpu.memory_space<vmem>>, vector<19x4096xf32>
    tpu.vector_store %arg13[%swap3A_84, %swap3A_85], %add3A_83 {strides = array<i32>} : memref<19x4096xf32, #tpu.memory_space<vmem>>, vector<19x4096xf32>,
    return
  }
  func.func @transform_0(%arg0: i32) -> (i32, i32) {
    %c0_i32 = arith.constant 0 : i32
    %c0_i32_0 = arith.constant 0 : i32
    return %c0_i32, %arg0 : i32, i32
  }
  func.func @transform_1(%arg0: i32) -> (i32, i32) {
    %c0_i32 = arith.constant 0 : i32
    %c0_i32_0 = arith.constant 0 : i32
    return %arg0, %c0_i32 : i32, i32
  }
  func.func @transform_2(%arg0: i32) -> (i32, i32) {
    %c0_i32 = arith.constant 0 : i32
    %c0_i32_0 = arith.constant 0 : i32
    %c0_i32_1 = arith.constant 0 : i32
    return %c0_i32, %c0_i32_0 : i32, i32
  }
  func.func @transform_3(%arg0: i32) -> (i32, i32) {
    %c0_i32 = arith.constant 0 : i32
    %c0_i32_0 = arith.constant 0 : i32
    %c0_i32_1 = arith.constant 0 : i32
    return %c0_i32, %c0_i32_0 : i32, i32
  }
  func.func @transform_4(%arg0: i32) -> (i32, i32) {
    %c0_i32 = arith.constant 0 : i32
    %c0_i32_0 = arith.constant 0 : i32
    %c0_i32_1 = arith.constant 0 : i32
    return %c0_i32, %c0_i32_0 : i32, i32
  }
  func.func @transform_5(%arg0: i32) -> (i32, i32) {
    %c0_i32 = arith.constant 0 : i32
    %c0_i32_0 = arith.constant 0 : i32
    %c0_i32_1 = arith.constant 0 : i32
    return %c0_i32, %c0_i32_0 : i32, i32
  }
  func.func @transform_6(%arg0: i32) -> (i32, i32) {
    %c0_i32 = arith.constant 0 : i32
    %c0_i32_0 = arith.constant 0 : i32
    %c0_i32_1 = arith.constant 0 : i32
    return %c0_i32, %c0_i32_0 : i32, i32
  }
  func.func @transform_7(%arg0: i32) -> (i32, i32) {
    %c0_i32 = arith.constant 0 : i32
    %c0_i32_0 = arith.constant 0 : i32
    %c0_i32_1 = arith.constant 0 : i32
    return %c0_i32, %c0_i32_0 : i32, i32
  }
  func.func @transform_8(%arg0: i32) -> (i32, i32) {
    %c0_i32 = arith.constant 0 : i32
    %c0_i32_0 = arith.constant 0 : i32
    %c0_i32_1 = arith.constant 0 : i32
    return %c0_i32, %c0_i32_0 : i32, i32
  }
  func.func @transform_9(%arg0: i32) -> (i32, i32) {
    %c0_i32 = arith.constant 0 : i32
    %c0_i32_0 = arith.constant 0 : i32
    %c0_i32_1 = arith.constant 0 : i32
    return %c0_i32, %c0_i32_0 : i32, i32
  }
  func.func @transform_10(%arg0: i32) -> (i32, i32) {
    %c0_i32 = arith.constant 0 : i32
    %c0_i32_0 = arith.constant 0 : i32
    return %c0_i32, %arg0 : i32, i32
  }
  func.func @transform_11(%arg0: i32) -> (i32, i32) {
    %c0_i32 = arith.constant 0 : i32
    %c0_i32_0 = arith.constant 0 : i32
    return %c0_i32, %arg0 : i32, i32
  }
  func.func @transform_12(%arg0: i32) -> (i32, i32) {
    %c0_i32 = arith.constant 0 : i32
    %c0_i32_0 = arith.constant 0 : i32
    return %c0_i32, %arg0 : i32, i32
  }
}

</mosaic_0001>

<sc_bundles>
// kernel: kernel.11.cloned.1.call-start
scs
__scs_entry_jumppad:
0x0: {  	(pc) =	sbr.rel $0x88, $3  }
0x1: {  	(tag) =	ssettag $0x0;
	lr =	simm.s32 $0x1  }
0x2: {  	[smem:$0x3F95] =	sst lr;
	_ =	strace $0xD0000000  }
0x3: {  	_ = 	snop  }
0x4: {  	_ = 	snop  }
0x5: {  	_ = 	snop  }
0x6: {  	_ = 	snop  }
0x7: {  	_ = 	snop  }
__scs_overlays_trampoline_lowered:
0x8: {  	[smem:$0x3FA4] =	sst s0  }
0x9: {  	[smem:$0x3FA5] =	sst s1  }
0xa: {  	[smem:$0x3FA6] =	sst s2  }
0xb: {  	[smem:$0x3FA7] =	sst s3  }
0xc: {  	[smem:$0x3FA8] =	sst s4  }
0xd: {  	[smem:$0x3FA9] =	sst s5  }
0xe: {  	[smem:$0x3FAA] =	sst s6  }
0xf: {  	[smem:$0x3FAB] =	sst s7  }
0x10: {  	[smem:$0x3FAC] =	sst s8  }
0x11: {  	[smem:$0x3FAD] =	sst s9;
	s0 =	simm.s32 @!p0 $0x0  }
0x12: {  	s1 =	sld [smem:$0x3F93];
	s0 =	simm.s32 @p0 $0x1  }
0x13: {  	[smem:$0x3FAE] =	sst s0;
	s0 =	simm.s32 @!p1 $0x0  }
0x14: {  	s2 =	sld [smem:$0x3F92];
	s0 =	simm.s32 @p1 $0x1  }
0x15: {  	[smem:$0x3FAF] =	sst s0;
	s0 =	simm.s32 @!p2 $0x0  }
0x16: {  	s3 =	sld [smem:$0x3FDB];
	s0 =	simm.s32 @p2 $0x1  }
0x17: {  	s4 =	simm.s32 $0x1BF5;
	[smem:$0x3FB1] =	sst s0  }
0x18: {  	s0 =	sld [smem:$0x3F94];
	_ =	swait.ge [sflag:s4], $0x0  }
0x19: {  	s7 =	sld [smem:$0x3F95]  }
0x1a: {  	s8 =	sadd.s32 $0xFFFFE003, lr  }
0x1b: {  	s9 =	sadd.s32 $0xFFFFFEF7, lr;
	s5 =	simm.s32 $0xFFFFFFFF;
	p2 =	slt.u32 s8, $0xFFFFF086  }
0x1c: {  	p1 =	slt.u32 s9, $0xF7A;
	s5 =	simm.s32 @!p2 $0x0  }
0x1d: {  	s5 =	simm.s32 @p1 $0x1;
	p0 =	seq.s32 s7, s2  }
0x1e: {  	s7 =	smul.u32 @!p0 $0xF7A, s2;
	p2 =	seq.s32 @!p0 s5, $0x0  }
0x1f: {  	s9 =	smul.u32 $0xF7A, s1;
	s8 =	simm.s32 @!p0 $0x1BF5;
	p2 =	por !p2, p0  }
0x20: {  	[sflag:s8] =	ssyncset.s32 @!p0 $0xFFFFF086;
	s6 =	sadd.s32 @!p0 s3, s7;
	s7 =	simm.s32 @!p0 $0x108  }
0x21: {  	s3 =	sadd.s32 s3, s9;
	s6 =	sadd.s32 @!p0 $0x88, s6;
	s7 =	simm.s32 @p2 $0x1082  }
0x22: {  	[simem:s7], [sflag:s8] =	dma.local @!p0 [hbm:s6], $0xF7A  }
0x23: {  	s9 =	sor.u32 $0xD0000000, s2;
	s6 =	simm.s32 $0x108;
	_ =	swait.ge @!p0 [sflag:s8], $0x0  }
0x24: {  	s3 =	sadd.s32 $0x88, s3;
	s6 =	simm.s32 @!p1 $0x1082;
	[sflag:s4] =	ssyncset.s32 $0xFFFFF086  }
0x25: {  	[simem:s6], [sflag:s4] =	dma.local [hbm:s3], $0xF7A  }
0x26: {  	[smem:$0x3F95] =	sst s1;
	(tag) =	ssettag s2;
	_ =	strace s9  }
0x27: {  	s1 =	sld [smem:$0x3FA5]  }
0x28: {  	s2 =	sld [smem:$0x3FA6]  }
0x29: {  	s4 =	sld [smem:$0x3FA8]  }
0x2a: {  	p0 =	seq.s32 s5, $0x0;
	s5 =	sld [smem:$0x3FA9]  }
0x2b: {  	s6 =	sld [smem:$0x3FAA]  }
0x2c: {  	s7 =	sld [smem:$0x3FAB]  }
0x2d: {  	s3 =	simm.s32 $0x108;
	s8 =	sld [smem:$0x3FAC]  }
0x2e: {  	s3 =	simm.s32 @!p0 $0x1082;
	s9 =	sld [smem:$0x3FAD]  }
0x2f: {  	lr =	sadd.s32 s0, s3;
	s0 =	sld [smem:$0x3FA4]  }
0x30: {  	s3 =	sld [smem:$0x3FA7]  }
0x31: {  	[smem:$0x3FB0] =	sst s10  }
0x32: {  	s10 =	sld [smem:$0x3FAE];
	_ =	sdelay $0x3  }
0x33: {  	p0 =	seq.s32 s10, $0x1;
	s10 =	sld [smem:$0x3FB0];
	_ =	sdelay $0x3  }
0x34: {  	[smem:$0x3FB0] =	sst s10  }
0x35: {  	s10 =	sld [smem:$0x3FAF];
	_ =	sdelay $0x3  }
0x36: {  	p1 =	seq.s32 s10, $0x1;
	s10 =	sld [smem:$0x3FB0];
	_ =	sdelay $0x3  }
0x37: {  	[smem:$0x3FB0] =	sst s10  }
0x38: {  	s10 =	sld [smem:$0x3FB1]  }
0x39: {  	_ = 	snop;
	(pc) =	sbr.ind lr, $3  }
0x3a: {  	_ = 	snop  }
0x3b: {  	_ = 	snop  }
0x3c: {  	p2 =	seq.s32 s10, $0x1;
	s10 =	sld [smem:$0x3FB0]  }
0x3d: {  	_ =	shalt  }
0x3e: {  	_ =	shalt  }
0x3f: {  	_ =	shalt  }
0x40: {  	_ =	shalt  }
0x41: {  	_ =	shalt  }
0x42: {  	_ =	shalt  }
0x43: {  	_ =	shalt  }
0x44: {  	_ =	shalt  }
0x45: {  	_ =	shalt  }
0x46: {  	_ =	shalt  }
0x47: {  	_ =	shalt  }
0x48: {  	_ =	shalt  }
0x49: {  	_ =	shalt  }
0x4a: {  	_ =	shalt  }
0x4b: {  	_ =	shalt  }
0x4c: {  	_ =	shalt  }
0x4d: {  	_ =	shalt  }
0x4e: {  	_ =	shalt  }
0x4f: {  	_ =	shalt  }
0x50: {  	_ =	shalt  }
0x51: {  	_ =	shalt  }
0x52: {  	_ =	shalt  }
0x53: {  	_ =	shalt  }
0x54: {  	_ =	shalt  }
0x55: {  	_ =	shalt  }
0x56: {  	_ =	shalt  }
0x57: {  	_ =	shalt  }
0x58: {  	_ =	shalt  }
0x59: {  	_ =	shalt  }
0x5a: {  	_ =	shalt  }
0x5b: {  	_ =	shalt  }
0x5c: {  	_ =	shalt  }
0x5d: {  	_ =	shalt  }
0x5e: {  	_ =	shalt  }
0x5f: {  	_ =	shalt  }
0x60: {  	_ =	shalt  }
0x61: {  	_ =	shalt  }
0x62: {  	_ =	shalt  }
0x63: {  	_ =	shalt  }
0x64: {  	_ =	shalt  }
0x65: {  	_ =	shalt  }
0x66: {  	_ =	shalt  }
0x67: {  	_ =	shalt  }
0x68: {  	_ =	shalt  }
0x69: {  	_ =	shalt  }
0x6a: {  	_ =	shalt  }
0x6b: {  	_ =	shalt  }
0x6c: {  	_ =	shalt  }
0x6d: {  	_ =	shalt  }
0x6e: {  	_ =	shalt  }
0x6f: {  	_ =	shalt  }
0x70: {  	_ =	shalt  }
0x71: {  	_ =	shalt  }
0x72: {  	_ =	shalt  }
0x73: {  	_ =	shalt  }
0x74: {  	_ =	shalt  }
0x75: {  	_ =	shalt  }
0x76: {  	_ =	shalt  }
0x77: {  	_ =	shalt  }
0x78: {  	_ =	shalt  }
0x79: {  	_ =	shalt  }
0x7a: {  	_ =	shalt  }
0x7b: {  	_ =	shalt  }
0x7c: {  	_ =	shalt  }
0x7d: {  	_ =	shalt  }
0x7e: {  	_ =	shalt  }
0x7f: {  	_ =	shalt  }
0x80: {  	_ =	shalt  }
0x81: {  	_ =	shalt  }
0x82: {  	_ =	shalt  }
0x83: {  	_ =	shalt  }
0x84: {  	_ =	shalt  }
0x85: {  	_ =	shalt  }
0x86: {  	_ =	shalt  }
0x87: {  	_ =	shalt  }
.Lfunc_end0:
.L_simem_size_0:
called_computation.1_lowered:
.L_overlay_start_0:
0x88: {  	s2 =	sld [smem:$0x3FD9]  }
0x89: {  	s3 =	sld [smem:$0x3FFE];
	_ =	sdelay $0x1  }
0x8a: {  	s1 =	srdreg.scid  }
0x8b: {  	s0 =	sand.u32 $0x1, s1  }
0x8c: {  	s15 =	sshll.u32 s0, $0xA;
	s2 =	sadd.s32 s3, s2  }
0x8d: {  	s2 =	sadd.s32 s2, s15  }
0x8e: {  	[smem:$0x3FBC] =	sst s2  }
0x8f: {  	_ = 	snop  }
0x90: {  	s2 =	sld [smem:$0x3FD0];
	_ =	sdelay $0x2  }
0x91: {  	s16 =	simm.s32 $0xB;
	s4 =	simm.s32 $0x10  }
0x92: {  	[smem:s4], [sflag:s16] =	dma.local [hbm:s2], $0x1  }
0x93: {  	_ =	swait.eq [sflag:s16], $0x1  }
0x94: {  	[sflag:s16] =	ssyncset.done $0x0  }
0x95: {  	[sflag:s16] =	ssyncadd.s32 $0xFFFFFFFF  }
0x96: {  	s17 =	sld [smem:$0x10];
	(tm) =	ssettm $0x1  }
0x97: {  	s18 =	sld [smem:$0x3FFB];
	_ =	sdelay $0x3  }
0x98: {  	_ =	strace s18  }
0x99: {  	s2 =	sld [smem:$0x3FFC];
	_ =	sdelay $0x3  }
0x9a: {  	_ =	strace s2  }
0x9b: {  	s2 =	sld [smem:$0x3FFD];
	_ =	sdelay $0x3  }
0x9c: {  	_ =	strace s2  }
0x9d: {  	_ =	strace $0x8FFFFFFF  }
0x9e: {  	s19 =	sld [smem:$0x3FDB];
	_ =	sdelay $0x1  }
0x9f: {  	s20 =	simm.s32 $_scs_section_size  }
0xa0: {  	s5 =	simm.s32 $_size__tile_overlayer_lowered;
	s6 =	simm.s32 $_tile_overlayer_lowered  }
0xa1: {  	s7 =	simm.s32 $0x1BFF;
	s21 =	sshll.u32 s6, $0x1;
	s4 =	sadd.s32 s20, s19  }
0xa2: {  	s22 =	simm.s32 $0x0;
	s5 =	sshll.u32 s5, $0x1;
	s6 =	sadd.s32 s21, s4  }
0xa3: {  	[timem:s22], [sflag:s7] =	dma.local [hbm:s6], s5  }
0xa4: {  	_ =	swait.ge [sflag:s7], s5  }
0xa5: {  	s5 =	ssub.s32 $0x0, s5;
	[sflag:s7] =	ssyncset.done $0x0  }
0xa6: {  	[sflag:s7] =	ssyncadd.s32 s5;
	_ =	sdelay $0x1  }
0xa7: {  	s23 =	simm.s32 $0x1B8B  }
0xa8: {  	_ =	swait.ge [sflag:s23], $0x1  }
0xa9: {  	[sflag:s23] =	ssyncset.done $0x0  }
0xaa: {  	[sflag:s23] =	ssyncadd.s32 $0xFFFFFFFF  }
0xab: {  	s5 =	sld [smem:$0x0]  }
0xac: {  	s6 =	sand.u32 $0xFFFFFFFE, s1  }
0xad: {  	p0 =	sne.s32 s1, s6  }
0xae: {  	s6 =	sshll.u32 @p0 s6, $0xE  }
0xaf: {  	s6 =	sadd.s32 @p0 $0x11B8D, s6;
	s7 =	sshll.u32 @p0 s5, $0x11  }
0xb0: {  	s6 =	sor.u32 @p0 s7, s6  }
0xb1: {  	[sflag:s6] =	ssyncadd.remote.s32 @p0 $0x1;
	_ =	sdelay $0x1  }
0xb2: {  	s6 =	simm.s32 @p0 $0x1B8D  }
0xb3: {  	_ =	swait.eq @p0 [sflag:s6], $0x1  }
0xb4: {  	[sflag:s6] =	ssyncadd.s32 @p0 $0xFFFFFFFF  }
0xb5: {  	s7 =	sshll.u32 @!p0 s1, $0xE  }
0xb6: {  	s7 =	sor.u32 @!p0 $0x4000, s7;
	s6 =	simm.s32 @!p0 $0x1B8D  }
0xb7: {  	s5 =	sshll.u32 @!p0 s5, $0x11;
	s7 =	sadd.s32 @!p0 $0x11B8D, s7;
	_ =	swait.eq @!p0 [sflag:s6], $0x1  }
0xb8: {  	s5 =	sor.u32 @!p0 s5, s7;
	[sflag:s6] =	ssyncadd.s32 @!p0 $0xFFFFFFFF  }
0xb9: {  	s25 =	simm.s32 $0x1B8E;
	s24 =	sld [smem:$0x3FFE];
	[sflag:s5] =	ssyncadd.remote.s32 @!p0 $0x1  }
0xba: {  	s26 =	simm.s32 $execute0_lowered;
	[smem:$0x3FD2] =	sst s25  }
0xbb: {  	s6 =	sshll.u32 s26, $0x1;
	_ =	strace $0x80000049;
	[dreg:$0x1] =	wrdreg $0xFFFFFFFF  }
0xbc: {  	s28 =	simm.s32 $_size_execute0_lowered;
	s4 =	sadd.s32 s4, s6;
	[dreg:$0x0] =	wrdreg $0x0  }
0xbd: {  	s6 =	sshll.u32 s28, $0x1;
	[dreg:$0x2] =	wrdreg s4  }
0xbe: {  	[dreg:$0x3] =	wrdreg s6  }
0xbf: {  	[dreg:$0x4] =	wrdreg $0xC0  }
0xc0: {  	_ =	task [dreg:s22], $0x5FFFF  }
0xc1: {  	[dreg:$0x1] =	wrdreg $0xFFFFFFFF  }
0xc2: {  	[dreg:$0x0] =	wrdreg $0x60  }
0xc3: {  	[dreg:$0x2] =	wrdreg s24  }
0xc4: {  	[dreg:$0x3] =	wrdreg s17  }
0xc5: {  	[dreg:$0x4] =	wrdreg $0x0  }
0xc6: {  	[dreg:$0x5] =	wrdreg $0xA  }
0xc7: {  	_ =	task.clear_ibuf [dreg:s22], $0x6FFFF;
	_ =	strace $0x90000049  }
0xc8: {  	s29 =	simm.s32 $0xA;
	_ =	strace $0x8000004B  }
0xc9: {  	_ =	swait.ge [sflag:s29], $0x1  }
0xca: {  	[sflag:s29] =	ssyncadd.s32 $0xFFFFFFFF  }
0xcb: {  	_ =	strace $0x9000004B  }
0xcc: {  	_ =	sfence  }
0xcd: {  	s30 =	sld [smem:$0x0];
	_ =	sdelay $0x2  }
0xce: {  	s31 =	sshll.u32 s1, $0xD;
	s1 =	sshrl.u32 s1, $0x2  }
0xcf: {  	s4 =	sand.u32 $0x4000, s31;
	s1 =	sadd.s32 s1, s30  }
0xd0: {  	s0 =	sor.u32 s4, s0;
	s1 =	sshll.u32 s1, $0x11  }
0xd1: {  	s0 =	sor.u32 s1, s0  }
0xd2: {  	s0 =	sadd.s32 $0x8F2B, s0  }
0xd3: {  	[sflag:s0] =	ssyncadd.remote.s32 $0x1  }
0xd4: {  	_ =	sfence.sel $0xFFFF  }
0xd5: {  	[dreg:$0x0] =	wrdreg $0xFFFFFFFF;
	(pc) =	sbr.abs _section_cstart, $3  }
0xd6: {  	[dreg:$0x1] =	wrdreg $0xFFFFFFFF  }
0xd7: {  	_ =	task.clear_ibuf [dreg:s22], $0x2FFFF;
	_ =	strace $0x9FFFFFFF  }
0xd8: {  	(tm) =	ssettm $0x7FFFFFFF  }
0xd9: {  	_ =	shalt  }
tec
execute0_lowered:
.L_overlay_start_1:
0x0: {  	(tag) =	ssettag $0x1  }
0x1: {  	s0 =	rddreg [dreg:$0x0]  }
0x2: {  	s1 =	rddreg [dreg:$0x1];
	s13 =	stileid.u32  }
0x3: {  	s2 =	rddreg [dreg:$0x2];
	s5 =	smul.u32 $0x320, s13  }
0x4: {  	s3 =	simm.s32 $0x0;
	s4 =	srdreg.scid;
	s7 =	smul.u32 $0x50000, s13  }
0x5: {  	[smem:$0x7FF] =	sst s3;
	s10 =	smul.u32 $0xC8000, s13  }
0x6: {  	s6 =	sand.u32 $0x1, s4;
	s4 =	sadd.s32 $0x6000, s0;
	s21 =	smul.u32 $0x28000, s13  }
0x7: {  	_ =	strace $0x8000004A;
	s8 =	smul.u32 $0xC80000, s6;
	s9 =	ssub.s32 $0x2, s6  }
0x8: {  	s12 =	smul.u32 $0x280000, s6;
	s5 =	sadd.s32 s5, s0;
	s11 =	sshrl.u32 s9, $0x1  }
0x9: {  	s22 =	sshrl.u32 s7, $0x2;
	s9 =	ssub.s32 s9, s11;
	s10 =	sadd.s32 s10, s8  }
0xa: {  	s5 =	sadd.s32 $0x2E00, s5;
	s6 =	sadd.s32 s22, s2;
	s25 =	sadd.s32 s21, s12  }
0xb: {  	s8 =	sadd.s32 $0x6008, s0;
	s11 =	simm.s32 $0x3;
	[dreg:$0x4] =	wrdreg s5  }
0xc: {  	s23 =	sshrl.u32 s10, $0x3;
	s5 =	sshrl.u32 s25, $0x3;
	s13 =	smax.u32 s9, $0x1  }
0xd: {  	s14 =	sadd.s32 $0x2000, s6;
	s15 =	sadd.s32 $0x3000, s6;
	[dreg:$0xb] =	wrdreg s13  }
0xe: {  	s16 =	sadd.s32 $0x4000, s6;
	s17 =	sadd.s32 $0x5000, s6;
	[dreg:$0xc] =	wrdreg s14  }
0xf: {  	s18 =	sadd.s32 $0xC000, s10;
	s19 =	sadd.s32 $0x6000, s6;
	[dreg:$0xd] =	wrdreg s15  }
0x10: {  	s20 =	sadd.s32 $0x7000, s6;
	s21 =	sadd.s32 $0x8000, s6;
	[dreg:$0xe] =	wrdreg s16  }
0x11: {  	s22 =	sadd.s32 $0x9000, s6;
	s25 =	sadd.s32 $0x8000, s10;
	[dreg:$0xf] =	wrdreg s17  }
0x12: {  	s29 =	sadd.s32 $0xC000, s6;
	s30 =	sadd.s32 $0xD000, s6;
	[dreg:$0x10] =	wrdreg s19  }
0x13: {  	s31 =	sadd.s32 $0xE000, s6;
	s9 =	sadd.s32 $0x13000, s6;
	[dreg:$0x11] =	wrdreg s20  }
0x14: {  	s10 =	simm.s32 $0x14000;
	s24 =	sadd.s32 s4, s23;
	[dreg:$0x12] =	wrdreg s21  }
0x15: {  	s26 =	sor.u32 $0x800, s23;
	s5 =	sadd.s32 s1, s5;
	[dreg:$0x13] =	wrdreg s22  }
0x16: {  	s7 =	sadd.s32 s23, s8;
	s23 =	sadd.s32 $0xA000, s6;
	[dreg:$0x5] =	wrdreg s24  }
0x17: {  	s1 =	sadd.s32 $0x10000, s6;
	s13 =	simm.s32 $0x40;
	[dreg:$0x8] =	wrdreg s7  }
0x18: {  	s14 =	simm.s32 $0x80;
	s15 =	simm.s32 $0x16000;
	[dreg:$0x7] =	wrdreg s5  }
0x19: {  	s16 =	simm.s32 $0x1;
	s28 =	sadd.s32 s4, s26;
	[dreg:$0x14] =	wrdreg s23  }
0x1a: {  	s17 =	simm.s32 $0x2;
	s12 =	sadd.s32 s26, s8;
	[dreg:$0x6] =	wrdreg s28  }
0x1b: {  	s0 =	sadd.s32 $0x8, s5;
	s26 =	sadd.s32 $0x1000, s6;
	[dreg:$0x9] =	wrdreg s12  }
0x1c: {  	s5 =	sadd.s32 $0x11000, s6;
	s7 =	sadd.s32 $0x12000, s6;
	[dreg:$0xa] =	wrdreg s0  }
0x1d: {  	s0 =	sshrl.u32 s18, $0x3;
	s28 =	sadd.s32 $0xB000, s6;
	s12 =	simm.s32 $0x19900  }
0x1e: {  	v0 =	vimm.f32 $0.0e+00;
	s24 =	sadd.s32 s0, s4;
	[dreg:$0x15] =	wrdreg s28;
	s0 =	sadd.s32 $0xF000, s6  }
.LBB2_1:
0x1f: {  	s19 =	simm.s32 $0x100;
	s18 =	simm.s32 $0x0  }
.LBB2_2:
0x20: {  	p0 =	sne.s32 s19, $0x3F00;
	[tilespmem:s18+$0x19930] =	vst v0;
	s20 =	smov.u32 s19;
	s19 =	sadd.s32 $0x100, s19  }
.Ltmp0:
0x21: {  	[tilespmem:s18+$0x19920] =	vst v0;
	(pc) =	sbr.rel @p0 .LBB2_2-.Ltmp0, $3  }
0x22: {  	[tilespmem:s18+$0x19900] =	vst v0  }
0x23: {  	[tilespmem:s18+$0x19910] =	vst v0;
	_ =	sdelay $0x1  }
0x24: {  	s18 =	sshra.s32 s20, $0x2  }
0x25: {  	[tilespmem:s18+$0x19930] =	vst v0  }
0x26: {  	[tilespmem:s18+$0x19920] =	vst v0  }
0x27: {  	[tilespmem:s18+$0x19900] =	vst v0  }
0x28: {  	[tilespmem:s18+$0x19910] =	vst v0;
	s21 =	simm.s32 $0x0;
	s19 =	rddreg [dreg:$0x4];
	s20 =	simm.s32 $0x18000  }
0x29: {  	[tilespmem:s20], [sflag:$0x3] =	stream.linear.gather [hbm4b:s19+s21], $0x1900, $0x38;
	[tilespmem:$0x1A900] =	vst v63  }
0x2a: {  	_ =	swait.ge [sflag:s11], $0x1900  }
0x2b: {  	[sflag:s11] =	ssyncset.done $0x0  }
0x2c: {  	[sflag:s11] =	ssyncadd.s32 $0xFFFFE700  }
0x2d: {  	[spmem:s6] =	stream.linear.scatter [tilespmem:s12], [sflag:$0x3], $0x1000, $0x38;
	[tilespmem:$0x1A900] =	vst v63  }
0x2e: {  	_ =	swait.ge [sflag:s11], $0x1000  }
0x2f: {  	[sflag:s11] =	ssyncset.done $0x0  }
0x30: {  	[sflag:s11] =	ssyncadd.s32 $0xFFFFF000  }
0x31: {  	[spmem:s26] =	stream.linear.scatter [tilespmem:s12], [sflag:$0x3], $0x1000, $0x38;
	[tilespmem:$0x1A900] =	vst v63  }
0x32: {  	_ =	swait.ge [sflag:s11], $0x1000  }
0x33: {  	[sflag:s11] =	ssyncset.done $0x0  }
0x34: {  	s22 =	rddreg [dreg:$0xc];
	[sflag:s11] =	ssyncadd.s32 $0xFFFFF000  }
0x35: {  	[spmem:s22] =	stream.linear.scatter [tilespmem:s12], [sflag:$0x3], $0x1000, $0x38;
	[tilespmem:$0x1A900] =	vst v63  }
0x36: {  	_ =	swait.ge [sflag:s11], $0x1000  }
0x37: {  	[sflag:s11] =	ssyncset.done $0x0  }
0x38: {  	s23 =	rddreg [dreg:$0xd];
	[sflag:s11] =	ssyncadd.s32 $0xFFFFF000  }
0x39: {  	[spmem:s23] =	stream.linear.scatter [tilespmem:s12], [sflag:$0x3], $0x1000, $0x38;
	[tilespmem:$0x1A900] =	vst v63  }
0x3a: {  	_ =	swait.ge [sflag:s11], $0x1000  }
0x3b: {  	[sflag:s11] =	ssyncset.done $0x0  }
0x3c: {  	s28 =	rddreg [dreg:$0xe];
	[sflag:s11] =	ssyncadd.s32 $0xFFFFF000  }
0x3d: {  	[spmem:s28] =	stream.linear.scatter [tilespmem:s12], [sflag:$0x3], $0x1000, $0x38;
	[tilespmem:$0x1A900] =	vst v63  }
0x3e: {  	_ =	swait.ge [sflag:s11], $0x1000  }
0x3f: {  	[sflag:s11] =	ssyncset.done $0x0  }
0x40: {  	s19 =	rddreg [dreg:$0xf];
	[sflag:s11] =	ssyncadd.s32 $0xFFFFF000  }
0x41: {  	[spmem:s19] =	stream.linear.scatter [tilespmem:s12], [sflag:$0x3], $0x1000, $0x38;
	[tilespmem:$0x1A900] =	vst v63  }
0x42: {  	_ =	swait.ge [sflag:s11], $0x1000  }
0x43: {  	[sflag:s11] =	ssyncset.done $0x0  }
0x44: {  	s20 =	rddreg [dreg:$0x10];
	[sflag:s11] =	ssyncadd.s32 $0xFFFFF000  }
0x45: {  	[spmem:s20] =	stream.linear.scatter [tilespmem:s12], [sflag:$0x3], $0x1000, $0x38;
	[tilespmem:$0x1A900] =	vst v63  }
0x46: {  	_ =	swait.ge [sflag:s11], $0x1000  }
0x47: {  	[sflag:s11] =	ssyncset.done $0x0  }
0x48: {  	s21 =	rddreg [dreg:$0x11];
	[sflag:s11] =	ssyncadd.s32 $0xFFFFF000  }
0x49: {  	[spmem:s21] =	stream.linear.scatter [tilespmem:s12], [sflag:$0x3], $0x1000, $0x38;
	[tilespmem:$0x1A900] =	vst v63  }
0x4a: {  	_ =	swait.ge [sflag:s11], $0x1000  }
0x4b: {  	[sflag:s11] =	ssyncset.done $0x0  }
0x4c: {  	s22 =	rddreg [dreg:$0x12];
	[sflag:s11] =	ssyncadd.s32 $0xFFFFF000  }
0x4d: {  	[spmem:s22] =	stream.linear.scatter [tilespmem:s12], [sflag:$0x3], $0x1000, $0x38;
	[tilespmem:$0x1A900] =	vst v63  }
0x4e: {  	_ =	swait.ge [sflag:s11], $0x1000  }
0x4f: {  	[sflag:s11] =	ssyncset.done $0x0  }
0x50: {  	s23 =	rddreg [dreg:$0x13];
	[sflag:s11] =	ssyncadd.s32 $0xFFFFF000  }
0x51: {  	[spmem:s23] =	stream.linear.scatter [tilespmem:s12], [sflag:$0x3], $0x1000, $0x38;
	[tilespmem:$0x1A900] =	vst v63  }
0x52: {  	_ =	swait.ge [sflag:s11], $0x1000  }
0x53: {  	[sflag:s11] =	ssyncset.done $0x0  }
0x54: {  	s28 =	rddreg [dreg:$0x14];
	[sflag:s11] =	ssyncadd.s32 $0xFFFFF000  }
0x55: {  	[spmem:s28] =	stream.linear.scatter [tilespmem:s12], [sflag:$0x3], $0x1000, $0x38;
	[tilespmem:$0x1A900] =	vst v63  }
0x56: {  	_ =	swait.ge [sflag:s11], $0x1000  }
0x57: {  	[sflag:s11] =	ssyncset.done $0x0  }
0x58: {  	s19 =	rddreg [dreg:$0x15];
	[sflag:s11] =	ssyncadd.s32 $0xFFFFF000  }
0x59: {  	[spmem:s19] =	stream.linear.scatter [tilespmem:s12], [sflag:$0x3], $0x1000, $0x38;
	[tilespmem:$0x1A900] =	vst v63  }
0x5a: {  	_ =	swait.ge [sflag:s11], $0x1000  }
0x5b: {  	[sflag:s11] =	ssyncset.done $0x0  }
0x5c: {  	[sflag:s11] =	ssyncadd.s32 $0xFFFFF000  }
0x5d: {  	[spmem:s29] =	stream.linear.scatter [tilespmem:s12], [sflag:$0x3], $0x1000, $0x38;
	[tilespmem:$0x1A900] =	vst v63  }
0x5e: {  	_ =	swait.ge [sflag:s11], $0x1000  }
0x5f: {  	[sflag:s11] =	ssyncset.done $0x0  }
0x60: {  	[sflag:s11] =	ssyncadd.s32 $0xFFFFF000  }
0x61: {  	[spmem:s30] =	stream.linear.scatter [tilespmem:s12], [sflag:$0x3], $0x1000, $0x38;
	[tilespmem:$0x1A900] =	vst v63  }
0x62: {  	_ =	swait.ge [sflag:s11], $0x1000  }
0x63: {  	[sflag:s11] =	ssyncset.done $0x0  }
0x64: {  	[sflag:s11] =	ssyncadd.s32 $0xFFFFF000  }
0x65: {  	[spmem:s31] =	stream.linear.scatter [tilespmem:s12], [sflag:$0x3], $0x1000, $0x38;
	[tilespmem:$0x1A900] =	vst v63  }
0x66: {  	_ =	swait.ge [sflag:s11], $0x1000  }
0x67: {  	[sflag:s11] =	ssyncset.done $0x0  }
0x68: {  	[sflag:s11] =	ssyncadd.s32 $0xFFFFF000  }
0x69: {  	[spmem:s0] =	stream.linear.scatter [tilespmem:s12], [sflag:$0x3], $0x1000, $0x38;
	[tilespmem:$0x1A900] =	vst v63  }
0x6a: {  	_ =	swait.ge [sflag:s11], $0x1000  }
0x6b: {  	[sflag:s11] =	ssyncset.done $0x0  }
0x6c: {  	[sflag:s11] =	ssyncadd.s32 $0xFFFFF000  }
0x6d: {  	[spmem:s1] =	stream.linear.scatter [tilespmem:s12], [sflag:$0x3], $0x1000, $0x38;
	[tilespmem:$0x1A900] =	vst v63  }
0x6e: {  	_ =	swait.ge [sflag:s11], $0x1000  }
0x6f: {  	[sflag:s11] =	ssyncset.done $0x0  }
0x70: {  	[sflag:s11] =	ssyncadd.s32 $0xFFFFF000  }
0x71: {  	[spmem:s5] =	stream.linear.scatter [tilespmem:s12], [sflag:$0x3], $0x1000, $0x38;
	[tilespmem:$0x1A900] =	vst v63  }
0x72: {  	_ =	swait.ge [sflag:s11], $0x1000  }
0x73: {  	[sflag:s11] =	ssyncset.done $0x0  }
0x74: {  	[sflag:s11] =	ssyncadd.s32 $0xFFFFF000  }
0x75: {  	[spmem:s7] =	stream.linear.scatter [tilespmem:s12], [sflag:$0x3], $0x1000, $0x38;
	[tilespmem:$0x1A900] =	vst v63  }
0x76: {  	_ =	swait.ge [sflag:s11], $0x1000  }
0x77: {  	[sflag:s11] =	ssyncset.done $0x0  }
0x78: {  	[sflag:s11] =	ssyncadd.s32 $0xFFFFF000  }
0x79: {  	[spmem:s9] =	stream.linear.scatter [tilespmem:s12], [sflag:$0x3], $0x1000, $0x38;
	[tilespmem:$0x1A900] =	vst v63  }
0x7a: {  	_ =	swait.ge [sflag:s11], $0x1000  }
0x7b: {  	[sflag:s11] =	ssyncset.done $0x0  }
0x7c: {  	[sflag:s11] =	ssyncadd.s32 $0xFFFFF000  }
0x7d: {  	[bflag:$0x0] =	sbarrier.arrive $0xFFFF  }
0x7e: {  	s20 =	rddreg [dreg:$0x5]  }
0x7f: {  	[tilespmem:s10], [sflag:$0x1] =	stream.strided.gather [hbm4b:s20+s13], $0x2000, s14, s13, $0x38;
	[tilespmem:$0x1A900] =	vst v63  }
0x80: {  	s21 =	rddreg [dreg:$0x6]  }
0x81: {  	[tilespmem:s15], [sflag:$0x2] =	stream.strided.gather [hbm4b:s21+s13], $0x2000, s14, s13, $0x38;
	[tilespmem:$0x1A900] =	vst v63  }
0x82: {  	_ =	swait.ge [sflag:s16], $0x2000  }
0x83: {  	[sflag:s16] =	ssyncset.done $0x0  }
0x84: {  	s22 =	simm.s32 $0x18000;
	[sflag:s16] =	ssyncadd.s32 $0xFFFFE000  }
0x85: {  	[spmem:s2] =	stream.indirect.scatter.add.f32 [tilespmem:s10], [sflag:$0x3], $0x40, s22, s14, $0xb8;
	[tilespmem:$0x1A900] =	vst v63  }
0x86: {  	_ =	swait.ge [sflag:s11], $0x2000  }
0x87: {  	s18 =	sshrl.u32 s25, $0x3;
	[sflag:s11] =	ssyncset.done $0x0  }
0x88: {  	s23 =	sadd.s32 s4, s18;
	[sflag:s11] =	ssyncadd.s32 $0xFFFFE000  }
0x89: {  	[tilespmem:s10], [sflag:$0x1] =	stream.strided.gather [hbm4b:s23+s13], $0x2000, s14, s13, $0x38;
	[tilespmem:$0x1A900] =	vst v63  }
0x8a: {  	_ =	swait.ge [sflag:s17], $0x2000  }
0x8b: {  	[sflag:s17] =	ssyncset.done $0x0  }
0x8c: {  	s28 =	simm.s32 $0x18080;
	[sflag:s17] =	ssyncadd.s32 $0xFFFFE000  }
0x8d: {  	[spmem:s2] =	stream.indirect.scatter.add.f32 [tilespmem:s15], [sflag:$0x3], $0x40, s28, s14, $0xb8;
	[tilespmem:$0x1A900] =	vst v63  }
0x8e: {  	_ =	swait.ge [sflag:s11], $0x2000  }
0x8f: {  	s19 =	simm.s32 $0x1000;
	s20 =	sadd.s32 $0x8000, s25;
	[sflag:s11] =	ssyncset.done $0x0  }
0x90: {  	s21 =	simm.s32 $0x18180;
	s22 =	sadd.s32 $0x0, s24;
	[sflag:s11] =	ssyncadd.s32 $0xFFFFE000  }
.LBB2_4:
0x91: {  	[tilespmem:s15], [sflag:$0x2] =	stream.strided.gather [hbm4b:s22+s13], $0x2000, s14, s13, $0x38;
	[tilespmem:$0x1A900] =	vst v63  }
0x92: {  	s22 =	smov.u32 s19  }
0x93: {  	p0 =	sne.s32 s19, $0x17000;
	s19 =	sadd.s32 $0x1000, s19;
	_ =	swait.ge [sflag:s16], $0x2000  }
0x94: {  	[sflag:s16] =	ssyncset.done $0x0  }
0x95: {  	s23 =	sadd.s32 $0xFFFFFF80, s21;
	[sflag:s16] =	ssyncadd.s32 $0xFFFFE000  }
0x96: {  	[spmem:s2] =	stream.indirect.scatter.add.f32 [tilespmem:s10], [sflag:$0x3], $0x40, s23, s14, $0xb8;
	[tilespmem:$0x1A900] =	vst v63  }
0x97: {  	_ =	swait.ge [sflag:s11], $0x2000  }
0x98: {  	s23 =	sshrl.u32 s20, $0x3;
	[sflag:s11] =	ssyncset.done $0x0  }
0x99: {  	s23 =	sadd.s32 s4, s23;
	[sflag:s11] =	ssyncadd.s32 $0xFFFFE000  }
0x9a: {  	[tilespmem:s10], [sflag:$0x1] =	stream.strided.gather [hbm4b:s23+s13], $0x2000, s14, s13, $0x38;
	[tilespmem:$0x1A900] =	vst v63  }
0x9b: {  	_ =	swait.ge [sflag:s17], $0x2000  }
0x9c: {  	[sflag:s17] =	ssyncset.done $0x0  }
.Ltmp1:
0x9d: {  	[sflag:s17] =	ssyncadd.s32 $0xFFFFE000;
	(pc) =	sbr.rel @p0 .LBB2_4-.Ltmp1, $4  }
0x9e: {  	[spmem:s2] =	stream.indirect.scatter.add.f32 [tilespmem:s15], [sflag:$0x3], $0x40, s21, s14, $0xb8;
	[tilespmem:$0x1A900] =	vst v63  }
0x9f: {  	_ =	swait.ge [sflag:s11], $0x2000  }
0xa0: {  	s20 =	sadd.s32 $0x8000, s20;
	[sflag:s11] =	ssyncset.done $0x0  }
0xa1: {  	s22 =	sadd.s32 s22, s24;
	s21 =	sadd.s32 $0x100, s21;
	[sflag:s11] =	ssyncadd.s32 $0xFFFFE000  }
0xa2: {  	[tilespmem:s15], [sflag:$0x2] =	stream.strided.gather [hbm4b:s22+s13], $0x2000, s14, s13, $0x38;
	[tilespmem:$0x1A900] =	vst v63  }
0xa3: {  	_ =	swait.ge [sflag:s16], $0x2000  }
0xa4: {  	[sflag:s16] =	ssyncset.done $0x0  }
0xa5: {  	s19 =	simm.s32 $0x19800;
	[sflag:s16] =	ssyncadd.s32 $0xFFFFE000  }
0xa6: {  	[spmem:s2] =	stream.indirect.scatter.add.f32 [tilespmem:s10], [sflag:$0x3], $0x40, s19, s14, $0xb8;
	[tilespmem:$0x1A900] =	vst v63  }
0xa7: {  	_ =	swait.ge [sflag:s11], $0x2000  }
0xa8: {  	[sflag:s11] =	ssyncset.done $0x0  }
0xa9: {  	[sflag:s11] =	ssyncadd.s32 $0xFFFFE000  }
0xaa: {  	_ =	swait.ge [sflag:s17], $0x2000  }
0xab: {  	[sflag:s17] =	ssyncset.done $0x0  }
0xac: {  	s21 =	simm.s32 $0x19880;
	[sflag:s17] =	ssyncadd.s32 $0xFFFFE000  }
0xad: {  	[spmem:s2] =	stream.indirect.scatter.add.f32 [tilespmem:s15], [sflag:$0x3], $0x40, s21, s14, $0xb8;
	[tilespmem:$0x1A900] =	vst v63  }
0xae: {  	_ =	swait.ge [sflag:s11], $0x2000  }
0xaf: {  	[sflag:s11] =	ssyncset.done $0x0  }
0xb0: {  	s22 =	stileid.u32;
	s20 =	sshrl.u32 s6, $0x3;
	[sflag:s11] =	ssyncadd.s32 $0xFFFFE000  }
0xb1: {  	s23 =	simm.s32 $0x10;
	s19 =	sshll.u32 s22, $0x6;
	[bflag:$0x0] =	sbarrier.arrive $0xFFFF  }
0xb2: {  	s19 =	sor.u32 $0x1C03, s19;
	s21 =	simm.s32 $0x8;
	s22 =	rddreg [dreg:$0x7]  }
0xb3: {  	[hbm:s22@s23], [sflag:s19] =	dma.strided [spmem:s20@s21], $0x2800, s16, $0x8   }
0xb4: {  	_ =	swait.ge [sflag:s11], $0x2800  }
0xb5: {  	[sflag:s11] =	ssyncset.done $0x0  }
0xb6: {  	[sflag:s11] =	ssyncadd.s32 $0xFFFFD800  }
0xb7: {  	[spmem:s6] =	stream.linear.scatter [tilespmem:s12], [sflag:$0x3], $0x1000, $0x38;
	[tilespmem:$0x1A900] =	vst v63  }
0xb8: {  	_ =	swait.ge [sflag:s11], $0x1000  }
0xb9: {  	[sflag:s11] =	ssyncset.done $0x0  }
0xba: {  	[sflag:s11] =	ssyncadd.s32 $0xFFFFF000  }
0xbb: {  	[spmem:s26] =	stream.linear.scatter [tilespmem:s12], [sflag:$0x3], $0x1000, $0x38;
	[tilespmem:$0x1A900] =	vst v63  }
0xbc: {  	_ =	swait.ge [sflag:s11], $0x1000  }
0xbd: {  	[sflag:s11] =	ssyncset.done $0x0  }
0xbe: {  	s23 =	rddreg [dreg:$0xc];
	[sflag:s11] =	ssyncadd.s32 $0xFFFFF000  }
0xbf: {  	[spmem:s23] =	stream.linear.scatter [tilespmem:s12], [sflag:$0x3], $0x1000, $0x38;
	[tilespmem:$0x1A900] =	vst v63  }
0xc0: {  	_ =	swait.ge [sflag:s11], $0x1000  }
0xc1: {  	[sflag:s11] =	ssyncset.done $0x0  }
0xc2: {  	s28 =	smov.u32 s26;
	s26 =	rddreg [dreg:$0xd];
	[sflag:s11] =	ssyncadd.s32 $0xFFFFF000  }
0xc3: {  	[spmem:s26] =	stream.linear.scatter [tilespmem:s12], [sflag:$0x3], $0x1000, $0x38;
	[tilespmem:$0x1A900] =	vst v63  }
0xc4: {  	_ =	swait.ge [sflag:s11], $0x1000  }
0xc5: {  	[sflag:s11] =	ssyncset.done $0x0  }
0xc6: {  	s22 =	rddreg [dreg:$0xe];
	[sflag:s11] =	ssyncadd.s32 $0xFFFFF000  }
0xc7: {  	[spmem:s22] =	stream.linear.scatter [tilespmem:s12], [sflag:$0x3], $0x1000, $0x38;
	[tilespmem:$0x1A900] =	vst v63  }
0xc8: {  	_ =	swait.ge [sflag:s11], $0x1000  }
0xc9: {  	[sflag:s11] =	ssyncset.done $0x0  }
0xca: {  	s23 =	rddreg [dreg:$0xf];
	[sflag:s11] =	ssyncadd.s32 $0xFFFFF000  }
0xcb: {  	[spmem:s23] =	stream.linear.scatter [tilespmem:s12], [sflag:$0x3], $0x1000, $0x38;
	[tilespmem:$0x1A900] =	vst v63  }
0xcc: {  	_ =	swait.ge [sflag:s11], $0x1000  }
0xcd: {  	[sflag:s11] =	ssyncset.done $0x0  }
0xce: {  	s26 =	rddreg [dreg:$0x10];
	[sflag:s11] =	ssyncadd.s32 $0xFFFFF000  }
0xcf: {  	[spmem:s26] =	stream.linear.scatter [tilespmem:s12], [sflag:$0x3], $0x1000, $0x38;
	[tilespmem:$0x1A900] =	vst v63  }
0xd0: {  	_ =	swait.ge [sflag:s11], $0x1000  }
0xd1: {  	[sflag:s11] =	ssyncset.done $0x0  }
0xd2: {  	s22 =	rddreg [dreg:$0x11];
	[sflag:s11] =	ssyncadd.s32 $0xFFFFF000  }
0xd3: {  	[spmem:s22] =	stream.linear.scatter [tilespmem:s12], [sflag:$0x3], $0x1000, $0x38;
	[tilespmem:$0x1A900] =	vst v63  }
0xd4: {  	_ =	swait.ge [sflag:s11], $0x1000  }
0xd5: {  	[sflag:s11] =	ssyncset.done $0x0  }
0xd6: {  	s23 =	rddreg [dreg:$0x12];
	[sflag:s11] =	ssyncadd.s32 $0xFFFFF000  }
0xd7: {  	[spmem:s23] =	stream.linear.scatter [tilespmem:s12], [sflag:$0x3], $0x1000, $0x38;
	[tilespmem:$0x1A900] =	vst v63  }
0xd8: {  	_ =	swait.ge [sflag:s11], $0x1000  }
0xd9: {  	[sflag:s11] =	ssyncset.done $0x0  }
0xda: {  	s26 =	rddreg [dreg:$0x13];
	[sflag:s11] =	ssyncadd.s32 $0xFFFFF000  }
0xdb: {  	[spmem:s26] =	stream.linear.scatter [tilespmem:s12], [sflag:$0x3], $0x1000, $0x38;
	[tilespmem:$0x1A900] =	vst v63  }
0xdc: {  	_ =	swait.ge [sflag:s11], $0x1000  }
0xdd: {  	[sflag:s11] =	ssyncset.done $0x0  }
0xde: {  	s22 =	rddreg [dreg:$0x14];
	[sflag:s11] =	ssyncadd.s32 $0xFFFFF000  }
0xdf: {  	[spmem:s22] =	stream.linear.scatter [tilespmem:s12], [sflag:$0x3], $0x1000, $0x38;
	[tilespmem:$0x1A900] =	vst v63  }
0xe0: {  	_ =	swait.ge [sflag:s11], $0x1000  }
0xe1: {  	[sflag:s11] =	ssyncset.done $0x0  }
0xe2: {  	s23 =	rddreg [dreg:$0x15];
	[sflag:s11] =	ssyncadd.s32 $0xFFFFF000  }
0xe3: {  	[spmem:s23] =	stream.linear.scatter [tilespmem:s12], [sflag:$0x3], $0x1000, $0x38;
	[tilespmem:$0x1A900] =	vst v63  }
0xe4: {  	_ =	swait.ge [sflag:s11], $0x1000  }
0xe5: {  	[sflag:s11] =	ssyncset.done $0x0  }
0xe6: {  	[sflag:s11] =	ssyncadd.s32 $0xFFFFF000  }
0xe7: {  	[spmem:s29] =	stream.linear.scatter [tilespmem:s12], [sflag:$0x3], $0x1000, $0x38;
	[tilespmem:$0x1A900] =	vst v63  }
0xe8: {  	_ =	swait.ge [sflag:s11], $0x1000  }
0xe9: {  	[sflag:s11] =	ssyncset.done $0x0  }
0xea: {  	[sflag:s11] =	ssyncadd.s32 $0xFFFFF000  }
0xeb: {  	[spmem:s30] =	stream.linear.scatter [tilespmem:s12], [sflag:$0x3], $0x1000, $0x38;
	[tilespmem:$0x1A900] =	vst v63  }
0xec: {  	_ =	swait.ge [sflag:s11], $0x1000  }
0xed: {  	[sflag:s11] =	ssyncset.done $0x0  }
0xee: {  	[sflag:s11] =	ssyncadd.s32 $0xFFFFF000  }
0xef: {  	[spmem:s31] =	stream.linear.scatter [tilespmem:s12], [sflag:$0x3], $0x1000, $0x38;
	[tilespmem:$0x1A900] =	vst v63  }
0xf0: {  	_ =	swait.ge [sflag:s11], $0x1000  }
0xf1: {  	[sflag:s11] =	ssyncset.done $0x0  }
0xf2: {  	[sflag:s11] =	ssyncadd.s32 $0xFFFFF000  }
0xf3: {  	[spmem:s0] =	stream.linear.scatter [tilespmem:s12], [sflag:$0x3], $0x1000, $0x38;
	[tilespmem:$0x1A900] =	vst v63  }
0xf4: {  	_ =	swait.ge [sflag:s11], $0x1000  }
0xf5: {  	[sflag:s11] =	ssyncset.done $0x0  }
0xf6: {  	[sflag:s11] =	ssyncadd.s32 $0xFFFFF000  }
0xf7: {  	[spmem:s1] =	stream.linear.scatter [tilespmem:s12], [sflag:$0x3], $0x1000, $0x38;
	[tilespmem:$0x1A900] =	vst v63  }
0xf8: {  	_ =	swait.ge [sflag:s11], $0x1000  }
0xf9: {  	[sflag:s11] =	ssyncset.done $0x0  }
0xfa: {  	[sflag:s11] =	ssyncadd.s32 $0xFFFFF000  }
0xfb: {  	[spmem:s5] =	stream.linear.scatter [tilespmem:s12], [sflag:$0x3], $0x1000, $0x38;
	[tilespmem:$0x1A900] =	vst v63  }
0xfc: {  	_ =	swait.ge [sflag:s11], $0x1000  }
0xfd: {  	[sflag:s11] =	ssyncset.done $0x0  }
0xfe: {  	[sflag:s11] =	ssyncadd.s32 $0xFFFFF000  }
0xff: {  	[spmem:s7] =	stream.linear.scatter [tilespmem:s12], [sflag:$0x3], $0x1000, $0x38;
	[tilespmem:$0x1A900] =	vst v63  }
0x100: {  	_ =	swait.ge [sflag:s11], $0x1000  }
0x101: {  	[sflag:s11] =	ssyncset.done $0x0  }
0x102: {  	[sflag:s11] =	ssyncadd.s32 $0xFFFFF000  }
0x103: {  	[spmem:s9] =	stream.linear.scatter [tilespmem:s12], [sflag:$0x3], $0x1000, $0x38;
	[tilespmem:$0x1A900] =	vst v63  }
0x104: {  	_ =	swait.ge [sflag:s11], $0x1000  }
0x105: {  	[sflag:s11] =	ssyncset.done $0x0  }
0x106: {  	[sflag:s11] =	ssyncadd.s32 $0xFFFFF000  }
0x107: {  	[bflag:$0x0] =	sbarrier.arrive $0xFFFF  }
0x108: {  	s26 =	rddreg [dreg:$0x8]  }
0x109: {  	[tilespmem:s10], [sflag:$0x1] =	stream.strided.gather [hbm4b:s26+s13], $0x2000, s14, s13, $0x38;
	[tilespmem:$0x1A900] =	vst v63  }
0x10a: {  	s22 =	rddreg [dreg:$0x9]  }
0x10b: {  	[tilespmem:s15], [sflag:$0x2] =	stream.strided.gather [hbm4b:s22+s13], $0x2000, s14, s13, $0x38;
	[tilespmem:$0x1A900] =	vst v63  }
0x10c: {  	_ =	swait.ge [sflag:s16], $0x2000  }
0x10d: {  	[sflag:s16] =	ssyncset.done $0x0  }
0x10e: {  	s23 =	simm.s32 $0x18000;
	[sflag:s16] =	ssyncadd.s32 $0xFFFFE000  }
0x10f: {  	[spmem:s2] =	stream.indirect.scatter.add.f32 [tilespmem:s10], [sflag:$0x3], $0x40, s23, s14, $0xb8;
	[tilespmem:$0x1A900] =	vst v63  }
0x110: {  	_ =	swait.ge [sflag:s11], $0x2000  }
0x111: {  	[sflag:s11] =	ssyncset.done $0x0  }
0x112: {  	s18 =	sadd.s32 s18, s8;
	[sflag:s11] =	ssyncadd.s32 $0xFFFFE000  }
0x113: {  	[tilespmem:s10], [sflag:$0x1] =	stream.strided.gather [hbm4b:s18+s13], $0x2000, s14, s13, $0x38;
	[tilespmem:$0x1A900] =	vst v63  }
0x114: {  	_ =	swait.ge [sflag:s17], $0x2000  }
0x115: {  	[sflag:s17] =	ssyncset.done $0x0  }
0x116: {  	s26 =	simm.s32 $0x18080;
	[sflag:s17] =	ssyncadd.s32 $0xFFFFE000  }
0x117: {  	[spmem:s2] =	stream.indirect.scatter.add.f32 [tilespmem:s15], [sflag:$0x3], $0x40, s26, s14, $0xb8;
	[tilespmem:$0x1A900] =	vst v63  }
0x118: {  	_ =	swait.ge [sflag:s11], $0x2000  }
0x119: {  	s21 =	sadd.s32 $0x8000, s25;
	s22 =	simm.s32 $0x18180;
	[sflag:s11] =	ssyncset.done $0x0  }
0x11a: {  	s23 =	sadd.s32 $0x8, s24;
	s18 =	simm.s32 $0x1008;
	[sflag:s11] =	ssyncadd.s32 $0xFFFFE000  }
.LBB2_6:
0x11b: {  	[tilespmem:s15], [sflag:$0x2] =	stream.strided.gather [hbm4b:s23+s13], $0x2000, s14, s13, $0x38;
	[tilespmem:$0x1A900] =	vst v63  }
0x11c: {  	s23 =	smov.u32 s18  }
0x11d: {  	p0 =	sne.s32 s18, $0x17008;
	s18 =	sadd.s32 $0x1000, s18;
	_ =	swait.ge [sflag:s16], $0x2000  }
0x11e: {  	[sflag:s16] =	ssyncset.done $0x0  }
0x11f: {  	s26 =	sadd.s32 $0xFFFFFF80, s22;
	[sflag:s16] =	ssyncadd.s32 $0xFFFFE000  }
0x120: {  	[spmem:s2] =	stream.indirect.scatter.add.f32 [tilespmem:s10], [sflag:$0x3], $0x40, s26, s14, $0xb8;
	[tilespmem:$0x1A900] =	vst v63  }
0x121: {  	_ =	swait.ge [sflag:s11], $0x2000  }
0x122: {  	s26 =	sshrl.u32 s21, $0x3;
	[sflag:s11] =	ssyncset.done $0x0  }
0x123: {  	s26 =	sadd.s32 s26, s8;
	[sflag:s11] =	ssyncadd.s32 $0xFFFFE000  }
0x124: {  	[tilespmem:s10], [sflag:$0x1] =	stream.strided.gather [hbm4b:s26+s13], $0x2000, s14, s13, $0x38;
	[tilespmem:$0x1A900] =	vst v63  }
0x125: {  	_ =	swait.ge [sflag:s17], $0x2000  }
0x126: {  	[sflag:s17] =	ssyncset.done $0x0  }
.Ltmp2:
0x127: {  	[sflag:s17] =	ssyncadd.s32 $0xFFFFE000;
	(pc) =	sbr.rel @p0 .LBB2_6-.Ltmp2, $4  }
0x128: {  	[spmem:s2] =	stream.indirect.scatter.add.f32 [tilespmem:s15], [sflag:$0x3], $0x40, s22, s14, $0xb8;
	[tilespmem:$0x1A900] =	vst v63  }
0x129: {  	_ =	swait.ge [sflag:s11], $0x2000  }
0x12a: {  	s21 =	sadd.s32 $0x8000, s21;
	[sflag:s11] =	ssyncset.done $0x0  }
0x12b: {  	s23 =	sadd.s32 s23, s24;
	s22 =	sadd.s32 $0x100, s22;
	[sflag:s11] =	ssyncadd.s32 $0xFFFFE000  }
0x12c: {  	[tilespmem:s15], [sflag:$0x2] =	stream.strided.gather [hbm4b:s23+s13], $0x2000, s14, s13, $0x38;
	[tilespmem:$0x1A900] =	vst v63  }
0x12d: {  	_ =	swait.ge [sflag:s16], $0x2000  }
0x12e: {  	[sflag:s16] =	ssyncset.done $0x0  }
0x12f: {  	s18 =	simm.s32 $0x19800;
	[sflag:s16] =	ssyncadd.s32 $0xFFFFE000  }
0x130: {  	[spmem:s2] =	stream.indirect.scatter.add.f32 [tilespmem:s10], [sflag:$0x3], $0x40, s18, s14, $0xb8;
	[tilespmem:$0x1A900] =	vst v63  }
0x131: {  	_ =	swait.ge [sflag:s11], $0x2000  }
0x132: {  	[sflag:s11] =	ssyncset.done $0x0  }
0x133: {  	[sflag:s11] =	ssyncadd.s32 $0xFFFFE000  }
0x134: {  	_ =	swait.ge [sflag:s17], $0x2000  }
0x135: {  	[sflag:s17] =	ssyncset.done $0x0  }
0x136: {  	s22 =	simm.s32 $0x19880;
	[sflag:s17] =	ssyncadd.s32 $0xFFFFE000  }
0x137: {  	[spmem:s2] =	stream.indirect.scatter.add.f32 [tilespmem:s15], [sflag:$0x3], $0x40, s22, s14, $0xb8;
	[tilespmem:$0x1A900] =	vst v63  }
0x138: {  	_ =	swait.ge [sflag:s11], $0x2000  }
0x139: {  	[sflag:s11] =	ssyncset.done $0x0  }
0x13a: {  	[sflag:s11] =	ssyncadd.s32 $0xFFFFE000  }
0x13b: {  	[bflag:$0x0] =	sbarrier.arrive $0xFFFF  }
0x13c: {  	s21 =	simm.s32 $0x10;
	s22 =	simm.s32 $0x8;
	s23 =	rddreg [dreg:$0xa]  }
0x13d: {  	[hbm:s23@s21], [sflag:s19] =	dma.strided [spmem:s20@s22], $0x2800, s16, $0x8   }
0x13e: {  	_ =	swait.ge [sflag:s11], $0x2800  }
0x13f: {  	s3 =	sadd.s32 $0x1, s3;
	s26 =	rddreg [dreg:$0xb]  }
0x140: {  	p0 =	sne.s32 s3, s26  }
.Ltmp3:
0x141: {  	_ = 	snop;
	(pc) =	sbr.rel @p0 .LBB2_1-.Ltmp3, $3  }
0x142: {  	_ =	sdelay $0x1  }
0x143: {  	[sflag:s11] =	ssyncset.done $0x0  }
0x144: {  	[sflag:s11] =	ssyncadd.s32 $0xFFFFD800;
	s26 =	smov.u32 s28  }
0x145: {  	_ =	sfence.sel $0x180000  }
0x146: {  	[bflag:$0x0] =	sbarrier.arrive $0xFFFF  }
0x147: {  	_ =	strace $0x9000004A  }
0x148: {  	s0 =	stileid.u32;
	[bflag:$0x2] =	sbarrier.arrive $0xFFFF  }
0x149: {  	p0 =	sne.s32 s0, $0x0;
	s0 =	rddreg [dreg:$0x3]  }
0x14a: {  	s0 =	sadd.s32 @!p0 $0x100000, s0  }
0x14b: {  	[sflag:s0] =	ssyncadd.tile.s32 @!p0 $0x1;
	_ =	shalt  }
.Lfunc_end2:
_tile_overlayer_lowered:
.L_overlay_start_2:
0x14c: {  	(tag) =	ssettag $0x2  }
0x14d: {  	s0 =	rddreg [dreg:$0x0];
	s2 =	stileid.u32  }
0x14e: {  	s1 =	rddreg [dreg:$0x1];
	p0 =	sne.s32 s2, $0x0  }
0x14f: {  	s3 =	rddreg [dreg:$0x2];
	[bflag:$0x3] =	sbarrier.arrive $0xFFFF;
	s2 =	simm.s32 @!p0 $0x1C03  }
0x150: {  	[timem:s3], [sflag:s2] =	dma.local @!p0 [hbm:s0], s1  }
0x151: {  	s0 =	simm.s32 @!p0 $0x3  }
0x152: {  	_ =	swait.ge @!p0 [sflag:s0], s1  }
0x153: {  	s1 =	ssub.s32 @!p0 $0x0, s1;
	[sflag:s0] =	ssyncset.done @!p0 $0x0  }
0x154: {  	[sflag:s0] =	ssyncadd.s32 @!p0 s1  }
0x155: {  	[bflag:$0x3] =	sbarrier.arrive $0xFFFF  }
0x156: {  	_ =	shalt  }

// kernel: kernel.14.cloned.1.call-start
scs
__scs_entry_jumppad:
0x0: {  	(pc) =	sbr.rel $0x88, $3  }
0x1: {  	(tag) =	ssettag $0x0;
	lr =	simm.s32 $0x1  }
0x2: {  	[smem:$0x3F95] =	sst lr;
	_ =	strace $0xD0000000  }
0x3: {  	_ = 	snop  }
0x4: {  	_ = 	snop  }
0x5: {  	_ = 	snop  }
0x6: {  	_ = 	snop  }
0x7: {  	_ = 	snop  }
__scs_overlays_trampoline_lowered:
0x8: {  	[smem:$0x3FA4] =	sst s0  }
0x9: {  	[smem:$0x3FA5] =	sst s1  }
0xa: {  	[smem:$0x3FA6] =	sst s2  }
0xb: {  	[smem:$0x3FA7] =	sst s3  }
0xc: {  	[smem:$0x3FA8] =	sst s4  }
0xd: {  	[smem:$0x3FA9] =	sst s5  }
0xe: {  	[smem:$0x3FAA] =	sst s6  }
0xf: {  	[smem:$0x3FAB] =	sst s7  }
0x10: {  	[smem:$0x3FAC] =	sst s8  }
0x11: {  	[smem:$0x3FAD] =	sst s9;
	s0 =	simm.s32 @!p0 $0x0  }
0x12: {  	s1 =	sld [smem:$0x3F93];
	s0 =	simm.s32 @p0 $0x1  }
0x13: {  	[smem:$0x3FAE] =	sst s0;
	s0 =	simm.s32 @!p1 $0x0  }
0x14: {  	s2 =	sld [smem:$0x3F92];
	s0 =	simm.s32 @p1 $0x1  }
0x15: {  	[smem:$0x3FAF] =	sst s0;
	s0 =	simm.s32 @!p2 $0x0  }
0x16: {  	s3 =	sld [smem:$0x3FDB];
	s0 =	simm.s32 @p2 $0x1  }
0x17: {  	s4 =	simm.s32 $0x1BF5;
	[smem:$0x3FB1] =	sst s0  }
0x18: {  	s0 =	sld [smem:$0x3F94];
	_ =	swait.ge [sflag:s4], $0x0  }
0x19: {  	s7 =	sld [smem:$0x3F95]  }
0x1a: {  	s8 =	sadd.s32 $0xFFFFE003, lr  }
0x1b: {  	s9 =	sadd.s32 $0xFFFFFEF7, lr;
	s5 =	simm.s32 $0xFFFFFFFF;
	p2 =	slt.u32 s8, $0xFFFFF086  }
0x1c: {  	p1 =	slt.u32 s9, $0xF7A;
	s5 =	simm.s32 @!p2 $0x0  }
0x1d: {  	s5 =	simm.s32 @p1 $0x1;
	p0 =	seq.s32 s7, s2  }
0x1e: {  	s7 =	smul.u32 @!p0 $0xF7A, s2;
	p2 =	seq.s32 @!p0 s5, $0x0  }
0x1f: {  	s9 =	smul.u32 $0xF7A, s1;
	s8 =	simm.s32 @!p0 $0x1BF5;
	p2 =	por !p2, p0  }
0x20: {  	[sflag:s8] =	ssyncset.s32 @!p0 $0xFFFFF086;
	s6 =	sadd.s32 @!p0 s3, s7;
	s7 =	simm.s32 @!p0 $0x108  }
0x21: {  	s3 =	sadd.s32 s3, s9;
	s6 =	sadd.s32 @!p0 $0x88, s6;
	s7 =	simm.s32 @p2 $0x1082  }
0x22: {  	[simem:s7], [sflag:s8] =	dma.local @!p0 [hbm:s6], $0xF7A  }
0x23: {  	s9 =	sor.u32 $0xD0000000, s2;
	s6 =	simm.s32 $0x108;
	_ =	swait.ge @!p0 [sflag:s8], $0x0  }
0x24: {  	s3 =	sadd.s32 $0x88, s3;
	s6 =	simm.s32 @!p1 $0x1082;
	[sflag:s4] =	ssyncset.s32 $0xFFFFF086  }
0x25: {  	[simem:s6], [sflag:s4] =	dma.local [hbm:s3], $0xF7A  }
0x26: {  	[smem:$0x3F95] =	sst s1;
	(tag) =	ssettag s2;
	_ =	strace s9  }
0x27: {  	s1 =	sld [smem:$0x3FA5]  }
0x28: {  	s2 =	sld [smem:$0x3FA6]  }
0x29: {  	s4 =	sld [smem:$0x3FA8]  }
0x2a: {  	p0 =	seq.s32 s5, $0x0;
	s5 =	sld [smem:$0x3FA9]  }
0x2b: {  	s6 =	sld [smem:$0x3FAA]  }
0x2c: {  	s7 =	sld [smem:$0x3FAB]  }
0x2d: {  	s3 =	simm.s32 $0x108;
	s8 =	sld [smem:$0x3FAC]  }
0x2e: {  	s3 =	simm.s32 @!p0 $0x1082;
	s9 =	sld [smem:$0x3FAD]  }
0x2f: {  	lr =	sadd.s32 s0, s3;
	s0 =	sld [smem:$0x3FA4]  }
0x30: {  	s3 =	sld [smem:$0x3FA7]  }
0x31: {  	[smem:$0x3FB0] =	sst s10  }
0x32: {  	s10 =	sld [smem:$0x3FAE];
	_ =	sdelay $0x3  }
0x33: {  	p0 =	seq.s32 s10, $0x1;
	s10 =	sld [smem:$0x3FB0];
	_ =	sdelay $0x3  }
0x34: {  	[smem:$0x3FB0] =	sst s10  }
0x35: {  	s10 =	sld [smem:$0x3FAF];
	_ =	sdelay $0x3  }
0x36: {  	p1 =	seq.s32 s10, $0x1;
	s10 =	sld [smem:$0x3FB0];
	_ =	sdelay $0x3  }
0x37: {  	[smem:$0x3FB0] =	sst s10  }
0x38: {  	s10 =	sld [smem:$0x3FB1]  }
0x39: {  	_ = 	snop;
	(pc) =	sbr.ind lr, $3  }
0x3a: {  	_ = 	snop  }
0x3b: {  	_ = 	snop  }
0x3c: {  	p2 =	seq.s32 s10, $0x1;
	s10 =	sld [smem:$0x3FB0]  }
0x3d: {  	_ =	shalt  }
0x3e: {  	_ =	shalt  }
0x3f: {  	_ =	shalt  }
0x40: {  	_ =	shalt  }
0x41: {  	_ =	shalt  }
0x42: {  	_ =	shalt  }
0x43: {  	_ =	shalt  }
0x44: {  	_ =	shalt  }
0x45: {  	_ =	shalt  }
0x46: {  	_ =	shalt  }
0x47: {  	_ =	shalt  }
0x48: {  	_ =	shalt  }
0x49: {  	_ =	shalt  }
0x4a: {  	_ =	shalt  }
0x4b: {  	_ =	shalt  }
0x4c: {  	_ =	shalt  }
0x4d: {  	_ =	shalt  }
0x4e: {  	_ =	shalt  }
0x4f: {  	_ =	shalt  }
0x50: {  	_ =	shalt  }
0x51: {  	_ =	shalt  }
0x52: {  	_ =	shalt  }
0x53: {  	_ =	shalt  }
0x54: {  	_ =	shalt  }
0x55: {  	_ =	shalt  }
0x56: {  	_ =	shalt  }
0x57: {  	_ =	shalt  }
0x58: {  	_ =	shalt  }
0x59: {  	_ =	shalt  }
0x5a: {  	_ =	shalt  }
0x5b: {  	_ =	shalt  }
0x5c: {  	_ =	shalt  }
0x5d: {  	_ =	shalt  }
0x5e: {  	_ =	shalt  }
0x5f: {  	_ =	shalt  }
0x60: {  	_ =	shalt  }
0x61: {  	_ =	shalt  }
0x62: {  	_ =	shalt  }
0x63: {  	_ =	shalt  }
0x64: {  	_ =	shalt  }
0x65: {  	_ =	shalt  }
0x66: {  	_ =	shalt  }
0x67: {  	_ =	shalt  }
0x68: {  	_ =	shalt  }
0x69: {  	_ =	shalt  }
0x6a: {  	_ =	shalt  }
0x6b: {  	_ =	shalt  }
0x6c: {  	_ =	shalt  }
0x6d: {  	_ =	shalt  }
0x6e: {  	_ =	shalt  }
0x6f: {  	_ =	shalt  }
0x70: {  	_ =	shalt  }
0x71: {  	_ =	shalt  }
0x72: {  	_ =	shalt  }
0x73: {  	_ =	shalt  }
0x74: {  	_ =	shalt  }
0x75: {  	_ =	shalt  }
0x76: {  	_ =	shalt  }
0x77: {  	_ =	shalt  }
0x78: {  	_ =	shalt  }
0x79: {  	_ =	shalt  }
0x7a: {  	_ =	shalt  }
0x7b: {  	_ =	shalt  }
0x7c: {  	_ =	shalt  }
0x7d: {  	_ =	shalt  }
0x7e: {  	_ =	shalt  }
0x7f: {  	_ =	shalt  }
0x80: {  	_ =	shalt  }
0x81: {  	_ =	shalt  }
0x82: {  	_ =	shalt  }
0x83: {  	_ =	shalt  }
0x84: {  	_ =	shalt  }
0x85: {  	_ =	shalt  }
0x86: {  	_ =	shalt  }
0x87: {  	_ =	shalt  }
.Lfunc_end0:
.L_simem_size_0:
called_computation.2_lowered:
.L_overlay_start_0:
0x88: {  	s2 =	sld [smem:$0x3FD9]  }
0x89: {  	s3 =	sld [smem:$0x3FFE];
	_ =	sdelay $0x1  }
0x8a: {  	s1 =	srdreg.scid  }
0x8b: {  	s0 =	sand.u32 $0x1, s1  }
0x8c: {  	s14 =	sshll.u32 s0, $0xA;
	s2 =	sadd.s32 s3, s2  }
0x8d: {  	s2 =	sadd.s32 s2, s14  }
0x8e: {  	[smem:$0x3FBC] =	sst s2  }
0x8f: {  	_ = 	snop  }
0x90: {  	s2 =	sld [smem:$0x3FD0];
	_ =	sdelay $0x2  }
0x91: {  	s15 =	simm.s32 $0xB;
	s4 =	simm.s32 $0x10  }
0x92: {  	[smem:s4], [sflag:s15] =	dma.local [hbm:s2], $0x1  }
0x93: {  	_ =	swait.eq [sflag:s15], $0x1  }
0x94: {  	[sflag:s15] =	ssyncset.done $0x0  }
0x95: {  	[sflag:s15] =	ssyncadd.s32 $0xFFFFFFFF  }
0x96: {  	s16 =	sld [smem:$0x10];
	(tm) =	ssettm $0x1  }
0x97: {  	s17 =	sld [smem:$0x3FFB];
	_ =	sdelay $0x3  }
0x98: {  	_ =	strace s17  }
0x99: {  	s3 =	sld [smem:$0x3FFC];
	_ =	sdelay $0x3  }
0x9a: {  	_ =	strace s3  }
0x9b: {  	s3 =	sld [smem:$0x3FFD];
	_ =	sdelay $0x3  }
0x9c: {  	_ =	strace s3  }
0x9d: {  	_ =	strace $0x8FFFFFFF  }
0x9e: {  	s18 =	sld [smem:$0x3FDB];
	_ =	sdelay $0x1  }
0x9f: {  	s19 =	simm.s32 $_scs_section_size  }
0xa0: {  	s5 =	simm.s32 $_size__tile_overlayer_lowered;
	s6 =	simm.s32 $_tile_overlayer_lowered  }
0xa1: {  	s22 =	simm.s32 $0x1BFF;
	s21 =	sshll.u32 s6, $0x1;
	s3 =	sadd.s32 s19, s18  }
0xa2: {  	s7 =	simm.s32 $0x0;
	s20 =	sshll.u32 s5, $0x1;
	s5 =	sadd.s32 s21, s3  }
0xa3: {  	[timem:s7], [sflag:s22] =	dma.local [hbm:s5], s20  }
0xa4: {  	_ =	swait.ge [sflag:s22], s20  }
0xa5: {  	s4 =	ssub.s32 $0x0, s20;
	[sflag:s22] =	ssyncset.done $0x0  }
0xa6: {  	[sflag:s22] =	ssyncadd.s32 s4;
	_ =	sdelay $0x1  }
0xa7: {  	s23 =	simm.s32 $0x1B8B  }
0xa8: {  	_ =	swait.ge [sflag:s23], $0x1  }
0xa9: {  	[sflag:s23] =	ssyncset.done $0x0  }
0xaa: {  	s25 =	simm.s32 $0x1B8E;
	s24 =	sld [smem:$0x3FFE];
	[sflag:s23] =	ssyncadd.s32 $0xFFFFFFFF  }
0xab: {  	s26 =	simm.s32 $execute0_lowered;
	[smem:$0x3FD2] =	sst s25  }
0xac: {  	s5 =	sshll.u32 s26, $0x1;
	_ =	strace $0x8000004C;
	[dreg:$0x1] =	wrdreg $0xFFFFFFFF  }
0xad: {  	s28 =	simm.s32 $_size_execute0_lowered;
	s3 =	sadd.s32 s3, s5;
	[dreg:$0x0] =	wrdreg $0x0  }
0xae: {  	s5 =	sshll.u32 s28, $0x1;
	[dreg:$0x2] =	wrdreg s3  }
0xaf: {  	[dreg:$0x3] =	wrdreg s5  }
0xb0: {  	[dreg:$0x4] =	wrdreg $0xC0  }
0xb1: {  	_ =	task [dreg:s7], $0x5FFFF  }
0xb2: {  	[dreg:$0x1] =	wrdreg $0xFFFFFFFF  }
0xb3: {  	[dreg:$0x0] =	wrdreg $0x60  }
0xb4: {  	[dreg:$0x2] =	wrdreg s16  }
0xb5: {  	[dreg:$0x3] =	wrdreg s24  }
0xb6: {  	[dreg:$0x4] =	wrdreg $0x9  }
0xb7: {  	_ =	task.clear_ibuf [dreg:s7], $0x5FFFF;
	_ =	strace $0x9000004C  }
0xb8: {  	s29 =	simm.s32 $0x9;
	_ =	strace $0x8000004E  }
0xb9: {  	_ =	swait.ge [sflag:s29], $0x1  }
0xba: {  	[sflag:s29] =	ssyncadd.s32 $0xFFFFFFFF  }
0xbb: {  	_ =	strace $0x9000004E  }
0xbc: {  	_ =	sfence  }
0xbd: {  	s30 =	sld [smem:$0x0];
	_ =	sdelay $0x2  }
0xbe: {  	s31 =	sshll.u32 s1, $0xD;
	s1 =	sshrl.u32 s1, $0x2  }
0xbf: {  	s3 =	sand.u32 $0x4000, s31;
	s1 =	sadd.s32 s1, s30  }
0xc0: {  	s0 =	sor.u32 s3, s0;
	s1 =	sshll.u32 s1, $0x11  }
0xc1: {  	s0 =	sor.u32 s1, s0  }
0xc2: {  	s0 =	sadd.s32 $0x8F2B, s0  }
0xc3: {  	[sflag:s0] =	ssyncadd.remote.s32 $0x1  }
0xc4: {  	_ =	sfence.sel $0xFFFF  }
0xc5: {  	[dreg:$0x0] =	wrdreg $0xFFFFFFFF;
	(pc) =	sbr.abs _section_cstart, $3  }
0xc6: {  	[dreg:$0x1] =	wrdreg $0xFFFFFFFF  }
0xc7: {  	_ =	task.clear_ibuf [dreg:s7], $0x2FFFF;
	_ =	strace $0x9FFFFFFF  }
0xc8: {  	(tm) =	ssettm $0x7FFFFFFF  }
0xc9: {  	_ =	shalt  }
tec
execute0_lowered:
.L_overlay_start_1:
0x0: {  	(tag) =	ssettag $0x1  }
0x1: {  	s1 =	srdreg.scid;
	s2 =	rddreg [dreg:$0x0]  }
0x2: {  	s0 =	stileid.u32;
	s5 =	rddreg [dreg:$0x1]  }
0x3: {  	s3 =	simm.s32 $0x0;
	s11 =	simm.s32 $0x80;
	s12 =	simm.s32 $0xC80  }
0x4: {  	s13 =	simm.s32 $0x4C80;
	s14 =	simm.s32 $0x100;
	s15 =	simm.s32 $0x8C80  }
0x5: {  	s16 =	simm.s32 $0x180;
	s17 =	simm.s32 $0xCC80;
	s18 =	simm.s32 $0x1  }
0x6: {  	s19 =	simm.s32 $0x5;
	s20 =	simm.s32 $0x6;
	s21 =	simm.s32 $0x7  }
0x7: {  	s22 =	simm.s32 $0x8;
	s23 =	simm.s32 $0x0;
	s4 =	sand.u32 $0x1, s1  }
0x8: {  	s26 =	sshll.u32 s0, $0x1;
	s7 =	smul.u32 $0xC8000, s0;
	[smem:$0x7FF] =	sst s3  }
0x9: {  	s1 =	sor.u32 s4, s26;
	s8 =	ssub.s32 $0x2, s4;
	s4 =	smul.u32 $0x64000, s4  }
0xa: {  	s10 =	sadd.s32 $0x6000, s5;
	s6 =	smul.u32 $0x190, s1;
	s9 =	sshrl.u32 s8, $0x1  }
0xb: {  	_ =	strace $0x8000004D;
	s28 =	ssub.s32 s8, s9;
	s29 =	sadd.s32 s4, s7  }
0xc: {  	s6 =	sadd.s32 s6, s5;
	s5 =	smax.u32 s28, $0x1;
	s30 =	sadd.s32 $0x4000, s29  }
0xd: {  	s7 =	sadd.s32 $0x8000, s29;
	s31 =	sadd.s32 $0xC000, s29;
	s9 =	sshrl.u32 s29, $0x3  }
0xe: {  	s4 =	sadd.s32 $0x2E00, s6;
	s6 =	sshrl.u32 s30, $0x3;
	s7 =	sshrl.u32 s7, $0x3  }
0xf: {  	s8 =	sshrl.u32 s31, $0x3;
	s9 =	sadd.s32 s9, s10;
	s6 =	sadd.s32 s6, s10  }
0x10: {  	s7 =	sadd.s32 s7, s10;
	s8 =	sadd.s32 s8, s10;
	s10 =	simm.s32 $0x9  }
.LBB2_1:
0x11: {  	[tilespmem:s3], [sflag:$0x9] =	stream.linear.gather [hbm4b:s4+s3], $0xC80, $0x38;
	[tilespmem:$0x10C80] =	vst v63  }
0x12: {  	_ =	swait.ge [sflag:s10], $0xC80  }
0x13: {  	[sflag:s10] =	ssyncset.done $0x0  }
0x14: {  	[sflag:s10] =	ssyncadd.s32 $0xFFFFF380  }
0x15: {  	[tilespmem:s12], [sflag:$0x1] =	stream.indirect.gather [hbm4b:s2+s11], $0x80, s3, s11, $0xb8;
	[tilespmem:$0x10C80] =	vst v63  }
0x16: {  	_ = 	snop  }
0x17: {  	[tilespmem:s13], [sflag:$0x2] =	stream.indirect.gather [hbm4b:s2+s11], $0x80, s11, s11, $0xb8;
	[tilespmem:$0x10C80] =	vst v63  }
0x18: {  	s24 =	simm.s32 $0x380  }
0x19: {  	[tilespmem:s15], [sflag:$0x3] =	stream.indirect.gather [hbm4b:s2+s11], $0x80, s14, s11, $0xb8;
	[tilespmem:$0x10C80] =	vst v63  }
0x1a: {  	s25 =	simm.s32 $0x1;
	s26 =	simm.s32 $0x0;
	s28 =	simm.s32 $0x0  }
0x1b: {  	[tilespmem:s17], [sflag:$0x4] =	stream.indirect.gather [hbm4b:s2+s11], $0x80, s16, s11, $0xb8;
	[tilespmem:$0x10C80] =	vst v63  }
.LBB2_2:
0x1c: {  	_ =	swait.ge [sflag:s18], $0x4000  }
0x1d: {  	[sflag:s18] =	ssyncset.done $0x0  }
0x1e: {  	s29 =	sadd.s32 s26, s9;
	p0 =	seq.s32 s26, $0xC000;
	[sflag:s18] =	ssyncadd.s32 $0xFFFFC000  }
0x1f: {  	[hbm4b:s29+s3] =	stream.linear.scatter [tilespmem:s12], [sflag:$0x5], $0x4000, $0x38;
	[tilespmem:$0x10C80] =	vst v63  }
0x20: {  	s29 =	simm.s32 @!p0 $0x5  }
0x21: {  	s30 =	simm.s32 @!p0 $0x80;
	_ =	swait.ge @!p0 [sflag:s29], $0x4000  }
0x22: {  	s31 =	simm.s32 @!p0 $0xC80;
	p2 =	sgt.u32 @!p0 s25, $0x18;
	[sflag:s29] =	ssyncset.done @!p0 $0x0  }
0x23: {  	p1 =	por p2, p0;
	[sflag:s29] =	ssyncadd.s32 @!p0 $0xFFFFC000;
	s29 =	sadd.s32 @!p0 $0xFFFFFE80, s24  }
0x24: {  	[tilespmem:s31], [sflag:$0x1] =	stream.indirect.gather @!p0 [hbm4b:s2+s30], $0x80, s29, s30, $0xb8;
	[tilespmem:$0x10C80] =	vst v63  }
0x25: {  	p3 =	sgt.u32 @!p1 s28, $0x4;
	s29 =	simm.s32 @!p1 $0x2  }
0x26: {  	p4 =	por @!p0 !p3, p2;
	_ =	swait.ge @!p1 [sflag:s29], $0x4000  }
0x27: {  	p4 =	por p4, p0;
	s30 =	simm.s32 @!p1 $0x0;
	[sflag:s29] =	ssyncset.done @!p1 $0x0  }
0x28: {  	s31 =	simm.s32 @!p1 $0x4C80;
	[sflag:s29] =	ssyncadd.s32 @!p1 $0xFFFFC000;
	s29 =	sadd.s32 @!p1 s26, s6  }
0x29: {  	[hbm4b:s29+s30] =	stream.linear.scatter @!p1 [tilespmem:s31], [sflag:$0x6], $0x4000, $0x38;
	[tilespmem:$0x10C80] =	vst v63  }
0x2a: {  	s29 =	simm.s32 @!p4 $0x3  }
0x2b: {  	p2 =	por @!p0 p3, p2;
	_ =	swait.ge @!p4 [sflag:s29], $0x4000  }
0x2c: {  	p2 =	por p2, p0;
	s1 =	simm.s32 @!p4 $0x8C80;
	[sflag:s29] =	ssyncset.done @!p4 $0x0  }
0x2d: {  	s31 =	simm.s32 @!p4 $0x0;
	[sflag:s29] =	ssyncadd.s32 @!p4 $0xFFFFC000;
	s29 =	sadd.s32 @!p4 s26, s7  }
0x2e: {  	[hbm4b:s29+s31] =	stream.linear.scatter @!p4 [tilespmem:s1], [sflag:$0x7], $0x4000, $0x38;
	[tilespmem:$0x10C80] =	vst v63  }
0x2f: {  	s1 =	simm.s32 @!p2 $0x6  }
0x30: {  	_ =	swait.ge @!p2 [sflag:s1], $0x4000  }
0x31: {  	s29 =	simm.s32 @!p2 $0x80;
	[sflag:s1] =	ssyncset.done @!p2 $0x0  }
0x32: {  	s31 =	simm.s32 @!p2 $0x4C80;
	[sflag:s1] =	ssyncadd.s32 @!p2 $0xFFFFC000;
	s1 =	sadd.s32 @!p2 $0xFFFFFF00, s24  }
0x33: {  	[tilespmem:s31], [sflag:$0x2] =	stream.indirect.gather @!p2 [hbm4b:s2+s29], $0x80, s1, s29, $0xb8;
	[tilespmem:$0x10C80] =	vst v63  }
0x34: {  	s1 =	simm.s32 @!p2 $0x3  }
0x35: {  	_ =	swait.ge @!p2 [sflag:s1], $0x4000  }
0x36: {  	s0 =	simm.s32 @!p2 $0x8C80;
	[sflag:s1] =	ssyncset.done @!p2 $0x0  }
0x37: {  	s31 =	simm.s32 @!p2 $0x0;
	[sflag:s1] =	ssyncadd.s32 @!p2 $0xFFFFC000;
	s1 =	sadd.s32 @!p2 s26, s7  }
0x38: {  	[hbm4b:s1+s31] =	stream.linear.scatter @!p2 [tilespmem:s0], [sflag:$0x7], $0x4000, $0x38;
	[tilespmem:$0x10C80] =	vst v63  }
0x39: {  	s1 =	simm.s32 @!p2 $0x7  }
0x3a: {  	_ =	swait.ge @!p2 [sflag:s1], $0x4000  }
0x3b: {  	[sflag:s1] =	ssyncset.done @!p2 $0x0  }
0x3c: {  	[sflag:s1] =	ssyncadd.s32 @!p2 $0xFFFFC000;
	s1 =	sadd.s32 @!p2 $0xFFFFFF80, s24  }
0x3d: {  	[tilespmem:s0], [sflag:$0x3] =	stream.indirect.gather @!p2 [hbm4b:s2+s29], $0x80, s1, s29, $0xb8;
	[tilespmem:$0x10C80] =	vst v63  }
0x3e: {  	s0 =	simm.s32 @!p1 $0x4  }
0x3f: {  	_ =	swait.ge @!p1 [sflag:s0], $0x4000  }
0x40: {  	s1 =	simm.s32 @!p1 $0xCC80;
	[sflag:s0] =	ssyncset.done @!p1 $0x0  }
0x41: {  	[sflag:s0] =	ssyncadd.s32 @!p1 $0xFFFFC000;
	s0 =	sadd.s32 @!p1 s26, s8;
	s26 =	sadd.s32 @!p0 $0x2000, s26  }
0x42: {  	[hbm4b:s0+s30] =	stream.linear.scatter @!p1 [tilespmem:s1], [sflag:$0x8], $0x4000, $0x38;
	[tilespmem:$0x10C80] =	vst v63  }
0x43: {  	p1 =	sne.s32 @!p0 s26, $0xE000  }
0x44: {  	s0 =	simm.s32 @!p2 $0x8;
	p1 =	por p0, !p1  }
.Ltmp0:
0x45: {  	_ =	swait.ge @!p2 [sflag:s0], $0x4000;
	(pc) =	sbr.rel @!p1 .LBB2_2-.Ltmp0, $4  }
0x46: {  	[sflag:s0] =	ssyncset.done @!p2 $0x0  }
0x47: {  	[sflag:s0] =	ssyncadd.s32 @!p2 $0xFFFFC000;
	s0 =	simm.s32 @!p2 $0xCC80  }
0x48: {  	[tilespmem:s0], [sflag:$0x4] =	stream.indirect.gather @!p2 [hbm4b:s2+s29], $0x80, s24, s29, $0xb8;
	[tilespmem:$0x10C80] =	vst v63  }
0x49: {  	s25 =	sadd.s32 @!p0 $0x4, s25;
	s28 =	sadd.s32 @!p0 $0x1, s28;
	s24 =	sadd.s32 @!p0 $0x200, s24  }
0x4a: {  	_ =	swait.ge [sflag:s19], $0x4000  }
0x4b: {  	[sflag:s19] =	ssyncset.done $0x0  }
0x4c: {  	[sflag:s19] =	ssyncadd.s32 $0xFFFFC000  }
0x4d: {  	_ =	swait.ge [sflag:s20], $0x4000  }
0x4e: {  	[sflag:s20] =	ssyncset.done $0x0  }
0x4f: {  	s23 =	sadd.s32 $0x1, s23;
	[sflag:s20] =	ssyncadd.s32 $0xFFFFC000  }
0x50: {  	p0 =	sne.s32 s23, s5;
	_ =	swait.ge [sflag:s21], $0x4000  }
.Ltmp1:
0x51: {  	[sflag:s21] =	ssyncset.done $0x0;
	(pc) =	sbr.rel @p0 .LBB2_1-.Ltmp1, $4  }
0x52: {  	[sflag:s21] =	ssyncadd.s32 $0xFFFFC000  }
0x53: {  	_ =	swait.ge [sflag:s22], $0x4000  }
0x54: {  	[sflag:s22] =	ssyncset.done $0x0  }
0x55: {  	[sflag:s22] =	ssyncadd.s32 $0xFFFFC000  }
0x56: {  	_ =	sfence.sel $0x180000  }
0x57: {  	[bflag:$0x0] =	sbarrier.arrive $0xFFFF  }
0x58: {  	_ =	strace $0x9000004D  }
0x59: {  	s0 =	stileid.u32;
	[bflag:$0x2] =	sbarrier.arrive $0xFFFF  }
0x5a: {  	p0 =	sne.s32 s0, $0x0;
	s0 =	rddreg [dreg:$0x2]  }
0x5b: {  	s0 =	sadd.s32 @!p0 $0x100000, s0  }
0x5c: {  	[sflag:s0] =	ssyncadd.tile.s32 @!p0 $0x1;
	_ =	shalt  }
.Lfunc_end2:
_tile_overlayer_lowered:
.L_overlay_start_2:
0x5d: {  	(tag) =	ssettag $0x2  }
0x5e: {  	s0 =	rddreg [dreg:$0x0];
	s2 =	stileid.u32  }
0x5f: {  	s1 =	rddreg [dreg:$0x1];
	p0 =	sne.s32 s2, $0x0  }
0x60: {  	s3 =	rddreg [dreg:$0x2];
	[bflag:$0x3] =	sbarrier.arrive $0xFFFF;
	s2 =	simm.s32 @!p0 $0x1C09  }
0x61: {  	[timem:s3], [sflag:s2] =	dma.local @!p0 [hbm:s0], s1  }
0x62: {  	s0 =	simm.s32 @!p0 $0x9  }
0x63: {  	_ =	swait.ge @!p0 [sflag:s0], s1  }
0x64: {  	s1 =	ssub.s32 @!p0 $0x0, s1;
	[sflag:s0] =	ssyncset.done @!p0 $0x0  }
0x65: {  	[sflag:s0] =	ssyncadd.s32 @!p0 s1  }
0x66: {  	[bflag:$0x3] =	sbarrier.arrive $0xFFFF  }
0x67: {  	_ =	shalt  }

// kernel: kernel.8.cloned.1.call-start
scs
__scs_entry_jumppad:
0x0: {  	(pc) =	sbr.rel $0x88, $3  }
0x1: {  	(tag) =	ssettag $0x0;
	lr =	simm.s32 $0x1  }
0x2: {  	[smem:$0x3F95] =	sst lr;
	_ =	strace $0xD0000000  }
0x3: {  	_ = 	snop  }
0x4: {  	_ = 	snop  }
0x5: {  	_ = 	snop  }
0x6: {  	_ = 	snop  }
0x7: {  	_ = 	snop  }
__scs_overlays_trampoline_lowered:
0x8: {  	[smem:$0x3FA4] =	sst s0  }
0x9: {  	[smem:$0x3FA5] =	sst s1  }
0xa: {  	[smem:$0x3FA6] =	sst s2  }
0xb: {  	[smem:$0x3FA7] =	sst s3  }
0xc: {  	[smem:$0x3FA8] =	sst s4  }
0xd: {  	[smem:$0x3FA9] =	sst s5  }
0xe: {  	[smem:$0x3FAA] =	sst s6  }
0xf: {  	[smem:$0x3FAB] =	sst s7  }
0x10: {  	[smem:$0x3FAC] =	sst s8  }
0x11: {  	[smem:$0x3FAD] =	sst s9;
	s0 =	simm.s32 @!p0 $0x0  }
0x12: {  	s1 =	sld [smem:$0x3F93];
	s0 =	simm.s32 @p0 $0x1  }
0x13: {  	[smem:$0x3FAE] =	sst s0;
	s0 =	simm.s32 @!p1 $0x0  }
0x14: {  	s2 =	sld [smem:$0x3F92];
	s0 =	simm.s32 @p1 $0x1  }
0x15: {  	[smem:$0x3FAF] =	sst s0;
	s0 =	simm.s32 @!p2 $0x0  }
0x16: {  	s3 =	sld [smem:$0x3FDB];
	s0 =	simm.s32 @p2 $0x1  }
0x17: {  	s4 =	simm.s32 $0x1BF5;
	[smem:$0x3FB1] =	sst s0  }
0x18: {  	s0 =	sld [smem:$0x3F94];
	_ =	swait.ge [sflag:s4], $0x0  }
0x19: {  	s7 =	sld [smem:$0x3F95]  }
0x1a: {  	s8 =	sadd.s32 $0xFFFFE003, lr  }
0x1b: {  	s9 =	sadd.s32 $0xFFFFFEF7, lr;
	s5 =	simm.s32 $0xFFFFFFFF;
	p2 =	slt.u32 s8, $0xFFFFF086  }
0x1c: {  	p1 =	slt.u32 s9, $0xF7A;
	s5 =	simm.s32 @!p2 $0x0  }
0x1d: {  	s5 =	simm.s32 @p1 $0x1;
	p0 =	seq.s32 s7, s2  }
0x1e: {  	s7 =	smul.u32 @!p0 $0xF7A, s2;
	p2 =	seq.s32 @!p0 s5, $0x0  }
0x1f: {  	s9 =	smul.u32 $0xF7A, s1;
	s8 =	simm.s32 @!p0 $0x1BF5;
	p2 =	por !p2, p0  }
0x20: {  	[sflag:s8] =	ssyncset.s32 @!p0 $0xFFFFF086;
	s6 =	sadd.s32 @!p0 s3, s7;
	s7 =	simm.s32 @!p0 $0x108  }
0x21: {  	s3 =	sadd.s32 s3, s9;
	s6 =	sadd.s32 @!p0 $0x88, s6;
	s7 =	simm.s32 @p2 $0x1082  }
0x22: {  	[simem:s7], [sflag:s8] =	dma.local @!p0 [hbm:s6], $0xF7A  }
0x23: {  	s9 =	sor.u32 $0xD0000000, s2;
	s6 =	simm.s32 $0x108;
	_ =	swait.ge @!p0 [sflag:s8], $0x0  }
0x24: {  	s3 =	sadd.s32 $0x88, s3;
	s6 =	simm.s32 @!p1 $0x1082;
	[sflag:s4] =	ssyncset.s32 $0xFFFFF086  }
0x25: {  	[simem:s6], [sflag:s4] =	dma.local [hbm:s3], $0xF7A  }
0x26: {  	[smem:$0x3F95] =	sst s1;
	(tag) =	ssettag s2;
	_ =	strace s9  }
0x27: {  	s1 =	sld [smem:$0x3FA5]  }
0x28: {  	s2 =	sld [smem:$0x3FA6]  }
0x29: {  	s4 =	sld [smem:$0x3FA8]  }
0x2a: {  	p0 =	seq.s32 s5, $0x0;
	s5 =	sld [smem:$0x3FA9]  }
0x2b: {  	s6 =	sld [smem:$0x3FAA]  }
0x2c: {  	s7 =	sld [smem:$0x3FAB]  }
0x2d: {  	s3 =	simm.s32 $0x108;
	s8 =	sld [smem:$0x3FAC]  }
0x2e: {  	s3 =	simm.s32 @!p0 $0x1082;
	s9 =	sld [smem:$0x3FAD]  }
0x2f: {  	lr =	sadd.s32 s0, s3;
	s0 =	sld [smem:$0x3FA4]  }
0x30: {  	s3 =	sld [smem:$0x3FA7]  }
0x31: {  	[smem:$0x3FB0] =	sst s10  }
0x32: {  	s10 =	sld [smem:$0x3FAE];
	_ =	sdelay $0x3  }
0x33: {  	p0 =	seq.s32 s10, $0x1;
	s10 =	sld [smem:$0x3FB0];
	_ =	sdelay $0x3  }
0x34: {  	[smem:$0x3FB0] =	sst s10  }
0x35: {  	s10 =	sld [smem:$0x3FAF];
	_ =	sdelay $0x3  }
0x36: {  	p1 =	seq.s32 s10, $0x1;
	s10 =	sld [smem:$0x3FB0];
	_ =	sdelay $0x3  }
0x37: {  	[smem:$0x3FB0] =	sst s10  }
0x38: {  	s10 =	sld [smem:$0x3FB1]  }
0x39: {  	_ = 	snop;
	(pc) =	sbr.ind lr, $3  }
0x3a: {  	_ = 	snop  }
0x3b: {  	_ = 	snop  }
0x3c: {  	p2 =	seq.s32 s10, $0x1;
	s10 =	sld [smem:$0x3FB0]  }
0x3d: {  	_ =	shalt  }
0x3e: {  	_ =	shalt  }
0x3f: {  	_ =	shalt  }
0x40: {  	_ =	shalt  }
0x41: {  	_ =	shalt  }
0x42: {  	_ =	shalt  }
0x43: {  	_ =	shalt  }
0x44: {  	_ =	shalt  }
0x45: {  	_ =	shalt  }
0x46: {  	_ =	shalt  }
0x47: {  	_ =	shalt  }
0x48: {  	_ =	shalt  }
0x49: {  	_ =	shalt  }
0x4a: {  	_ =	shalt  }
0x4b: {  	_ =	shalt  }
0x4c: {  	_ =	shalt  }
0x4d: {  	_ =	shalt  }
0x4e: {  	_ =	shalt  }
0x4f: {  	_ =	shalt  }
0x50: {  	_ =	shalt  }
0x51: {  	_ =	shalt  }
0x52: {  	_ =	shalt  }
0x53: {  	_ =	shalt  }
0x54: {  	_ =	shalt  }
0x55: {  	_ =	shalt  }
0x56: {  	_ =	shalt  }
0x57: {  	_ =	shalt  }
0x58: {  	_ =	shalt  }
0x59: {  	_ =	shalt  }
0x5a: {  	_ =	shalt  }
0x5b: {  	_ =	shalt  }
0x5c: {  	_ =	shalt  }
0x5d: {  	_ =	shalt  }
0x5e: {  	_ =	shalt  }
0x5f: {  	_ =	shalt  }
0x60: {  	_ =	shalt  }
0x61: {  	_ =	shalt  }
0x62: {  	_ =	shalt  }
0x63: {  	_ =	shalt  }
0x64: {  	_ =	shalt  }
0x65: {  	_ =	shalt  }
0x66: {  	_ =	shalt  }
0x67: {  	_ =	shalt  }
0x68: {  	_ =	shalt  }
0x69: {  	_ =	shalt  }
0x6a: {  	_ =	shalt  }
0x6b: {  	_ =	shalt  }
0x6c: {  	_ =	shalt  }
0x6d: {  	_ =	shalt  }
0x6e: {  	_ =	shalt  }
0x6f: {  	_ =	shalt  }
0x70: {  	_ =	shalt  }
0x71: {  	_ =	shalt  }
0x72: {  	_ =	shalt  }
0x73: {  	_ =	shalt  }
0x74: {  	_ =	shalt  }
0x75: {  	_ =	shalt  }
0x76: {  	_ =	shalt  }
0x77: {  	_ =	shalt  }
0x78: {  	_ =	shalt  }
0x79: {  	_ =	shalt  }
0x7a: {  	_ =	shalt  }
0x7b: {  	_ =	shalt  }
0x7c: {  	_ =	shalt  }
0x7d: {  	_ =	shalt  }
0x7e: {  	_ =	shalt  }
0x7f: {  	_ =	shalt  }
0x80: {  	_ =	shalt  }
0x81: {  	_ =	shalt  }
0x82: {  	_ =	shalt  }
0x83: {  	_ =	shalt  }
0x84: {  	_ =	shalt  }
0x85: {  	_ =	shalt  }
0x86: {  	_ =	shalt  }
0x87: {  	_ =	shalt  }
.Lfunc_end0:
.L_simem_size_0:
called_computation_lowered:
.L_overlay_start_0:
0x88: {  	s2 =	sld [smem:$0x3FD9]  }
0x89: {  	s3 =	sld [smem:$0x3FFE];
	_ =	sdelay $0x1  }
0x8a: {  	s1 =	srdreg.scid  }
0x8b: {  	s0 =	sand.u32 $0x1, s1  }
0x8c: {  	s14 =	sshll.u32 s0, $0xA;
	s2 =	sadd.s32 s3, s2  }
0x8d: {  	s2 =	sadd.s32 s2, s14  }
0x8e: {  	[smem:$0x3FBC] =	sst s2  }
0x8f: {  	_ = 	snop  }
0x90: {  	s2 =	sld [smem:$0x3FD0];
	_ =	sdelay $0x2  }
0x91: {  	s15 =	simm.s32 $0xB;
	s4 =	simm.s32 $0x10  }
0x92: {  	[smem:s4], [sflag:s15] =	dma.local [hbm:s2], $0x1  }
0x93: {  	_ =	swait.eq [sflag:s15], $0x1  }
0x94: {  	[sflag:s15] =	ssyncset.done $0x0  }
0x95: {  	[sflag:s15] =	ssyncadd.s32 $0xFFFFFFFF  }
0x96: {  	s16 =	sld [smem:$0x12];
	(tm) =	ssettm $0x1  }
0x97: {  	s17 =	sld [smem:$0x3FFB];
	_ =	sdelay $0x3  }
0x98: {  	_ =	strace s17  }
0x99: {  	s3 =	sld [smem:$0x3FFC];
	_ =	sdelay $0x3  }
0x9a: {  	_ =	strace s3  }
0x9b: {  	s3 =	sld [smem:$0x3FFD];
	_ =	sdelay $0x3  }
0x9c: {  	_ =	strace s3  }
0x9d: {  	_ =	strace $0x8FFFFFFF  }
0x9e: {  	s18 =	sld [smem:$0x3FDB];
	_ =	sdelay $0x1  }
0x9f: {  	s19 =	simm.s32 $_scs_section_size  }
0xa0: {  	s5 =	simm.s32 $_size__tile_overlayer_lowered;
	s6 =	simm.s32 $_tile_overlayer_lowered  }
0xa1: {  	s22 =	simm.s32 $0x1BFF;
	s21 =	sshll.u32 s6, $0x1;
	s3 =	sadd.s32 s19, s18  }
0xa2: {  	s7 =	simm.s32 $0x0;
	s20 =	sshll.u32 s5, $0x1;
	s5 =	sadd.s32 s21, s3  }
0xa3: {  	[timem:s7], [sflag:s22] =	dma.local [hbm:s5], s20  }
0xa4: {  	_ =	swait.ge [sflag:s22], s20  }
0xa5: {  	s4 =	ssub.s32 $0x0, s20;
	[sflag:s22] =	ssyncset.done $0x0  }
0xa6: {  	[sflag:s22] =	ssyncadd.s32 s4;
	_ =	sdelay $0x1  }
0xa7: {  	s23 =	simm.s32 $0x1B8B  }
0xa8: {  	_ =	swait.ge [sflag:s23], $0x1  }
0xa9: {  	[sflag:s23] =	ssyncset.done $0x0  }
0xaa: {  	s25 =	simm.s32 $0x1B8E;
	s24 =	sld [smem:$0x3FFE];
	[sflag:s23] =	ssyncadd.s32 $0xFFFFFFFF  }
0xab: {  	s26 =	simm.s32 $execute0_lowered;
	[smem:$0x3FD2] =	sst s25  }
0xac: {  	s5 =	sshll.u32 s26, $0x1;
	_ =	strace $0x80000046;
	[dreg:$0x1] =	wrdreg $0xFFFFFFFF  }
0xad: {  	s28 =	simm.s32 $_size_execute0_lowered;
	s3 =	sadd.s32 s3, s5;
	[dreg:$0x0] =	wrdreg $0x0  }
0xae: {  	s5 =	sshll.u32 s28, $0x1;
	[dreg:$0x2] =	wrdreg s3  }
0xaf: {  	[dreg:$0x3] =	wrdreg s5  }
0xb0: {  	[dreg:$0x4] =	wrdreg $0xC0  }
0xb1: {  	_ =	task [dreg:s7], $0x5FFFF  }
0xb2: {  	[dreg:$0x1] =	wrdreg $0xFFFFFFFF  }
0xb3: {  	[dreg:$0x0] =	wrdreg $0x60  }
0xb4: {  	[dreg:$0x2] =	wrdreg s24  }
0xb5: {  	[dreg:$0x3] =	wrdreg s16  }
0xb6: {  	[dreg:$0x4] =	wrdreg $0x9  }
0xb7: {  	_ =	task.clear_ibuf [dreg:s7], $0x5FFFF;
	_ =	strace $0x90000046  }
0xb8: {  	s29 =	simm.s32 $0x9;
	_ =	strace $0x80000048  }
0xb9: {  	_ =	swait.ge [sflag:s29], $0x1  }
0xba: {  	[sflag:s29] =	ssyncadd.s32 $0xFFFFFFFF  }
0xbb: {  	_ =	strace $0x90000048  }
0xbc: {  	_ =	sfence  }
0xbd: {  	s30 =	sld [smem:$0x0];
	_ =	sdelay $0x2  }
0xbe: {  	s31 =	sshll.u32 s1, $0xD;
	s1 =	sshrl.u32 s1, $0x2  }
0xbf: {  	s3 =	sand.u32 $0x4000, s31;
	s1 =	sadd.s32 s1, s30  }
0xc0: {  	s0 =	sor.u32 s3, s0;
	s1 =	sshll.u32 s1, $0x11  }
0xc1: {  	s0 =	sor.u32 s1, s0  }
0xc2: {  	s0 =	sadd.s32 $0x8F2B, s0  }
0xc3: {  	[sflag:s0] =	ssyncadd.remote.s32 $0x1  }
0xc4: {  	_ =	sfence.sel $0xFFFF  }
0xc5: {  	[dreg:$0x0] =	wrdreg $0xFFFFFFFF;
	(pc) =	sbr.abs _section_cstart, $3  }
0xc6: {  	[dreg:$0x1] =	wrdreg $0xFFFFFFFF  }
0xc7: {  	_ =	task.clear_ibuf [dreg:s7], $0x2FFFF;
	_ =	strace $0x9FFFFFFF  }
0xc8: {  	(tm) =	ssettm $0x7FFFFFFF  }
0xc9: {  	_ =	shalt  }
tec
execute0_lowered:
.L_overlay_start_1:
0x0: {  	(tag) =	ssettag $0x1  }
0x1: {  	s1 =	srdreg.scid;
	s4 =	rddreg [dreg:$0x0]  }
0x2: {  	s0 =	stileid.u32;
	s6 =	rddreg [dreg:$0x1];
	s2 =	simm.s32 $0x0  }
0x3: {  	s3 =	sand.u32 $0x1, s1;
	s30 =	sshll.u32 s0, $0x1;
	s9 =	smul.u32 $0x1900, s0  }
0x4: {  	s1 =	rddreg [dreg:$0x2];
	s5 =	sor.u32 s3, s30;
	s10 =	smul.u32 $0xC80, s3  }
0x5: {  	[smem:$0x7FF] =	sst s2;
	s8 =	ssub.s32 $0x2, s3;
	s7 =	smul.u32 $0x190, s5  }
0x6: {  	_ =	strace $0x80000047;
	s5 =	smul.u32 $0xA00, s5;
	s31 =	sshrl.u32 s8, $0x1  }
0x7: {  	s4 =	sadd.s32 s7, s4;
	s7 =	ssub.s32 s8, s31;
	s8 =	simm.s32 $0xC80  }
0x8: {  	s3 =	sadd.s32 $0x2E00, s4;
	s4 =	sadd.s32 s6, s5;
	s5 =	smax.u32 s7, $0x1  }
0x9: {  	v0 =	vimm.f32 $0.0e+00;
	vm0 =	vmxor vm0, vm0;
	v1 =	vimm.f32 $1.000000000e+00;
	s6 =	sadd.s32 s10, s9;
	s7 =	simm.s32 $0x1;
	s9 =	simm.s32 $0x0  }
.LBB2_1:
0xa: {  	s10 =	simm.s32 $0x40;
	s11 =	simm.s32 $0x0  }
.LBB2_2:
0xb: {  	p0 =	sne.s32 s10, $0x13FC0;
	[tilespmem:s11+$0xC80] =	vst v0;
	s11 =	smov.u32 s10;
	s10 =	sadd.s32 $0x40, s10  }
.Ltmp0:
0xc: {  	(pc) =	sbr.rel @p0 .LBB2_2-.Ltmp0, $2  }
0xd: {  	_ =	sdelay $0x2  }
0xe: {  	s11 =	sshra.s32 s11, $0x2  }
0xf: {  	[tilespmem:s11+$0xC80] =	vst v0;
	s10 =	simm.s32 $0x0  }
0x10: {  	[tilespmem:s10], [sflag:$0x1] =	stream.linear.gather [hbm4b:s3+s10], $0xC80, $0x38;
	[tilespmem:$0x5C80] =	vst v63  }
0x11: {  	_ =	swait.ge [sflag:s7], $0xC80  }
0x12: {  	[sflag:s7] =	ssyncset.done $0x0  }
0x13: {  	s11 =	simm.s32 $0x40;
	[sflag:s7] =	ssyncadd.s32 $0xFFFFF380  }
.LBB2_4:
0x14: {  	s12 =	sadd.s32 s10, s6;
	v2 =	vld [tilespmem:s11+$0xFFFFFFC0]  }
0x15: {  	vm1 =	vmmov vm0;
	p0 =	slt.u32 s12, $0x186A0  }
0x16: {  	vm1 =	vmneg @p0 vm1;
	_ =	sdelay $0x5  }
0x17: {  	[tilespmem:v2+s8+$0x0] =	vst.idx.add.f32.msk vm1, v1  }
0x18: {  	s13 =	sadd.s32 $0x10, s12;
	v2 =	vld [tilespmem:s11+$0xFFFFFFD0]  }
0x19: {  	p0 =	slt.u32 s13, $0x186A0;
	vm1 =	vmmov vm0  }
0x1a: {  	vm1 =	vmneg @p0 vm1;
	_ =	sdelay $0x5  }
0x1b: {  	[tilespmem:v2+s8+$0x0] =	vst.idx.add.f32.msk vm1, v1  }
0x1c: {  	s26 =	sadd.s32 $0x20, s12;
	v2 =	vld [tilespmem:s11+$0xFFFFFFE0]  }
0x1d: {  	p0 =	slt.u32 s26, $0x186A0;
	vm1 =	vmmov vm0  }
0x1e: {  	vm1 =	vmneg @p0 vm1;
	_ =	sdelay $0x5  }
0x1f: {  	[tilespmem:v2+s8+$0x0] =	vst.idx.add.f32.msk vm1, v1  }
0x20: {  	s28 =	sadd.s32 $0x30, s12;
	v2 =	vld [tilespmem:s11+$0xFFFFFFF0]  }
0x21: {  	p0 =	slt.u32 s28, $0x186A0;
	vm1 =	vmmov vm0  }
0x22: {  	vm1 =	vmneg @p0 vm1;
	_ =	sdelay $0x5  }
0x23: {  	[tilespmem:v2+s8+$0x0] =	vst.idx.add.f32.msk vm1, v1  }
0x24: {  	s29 =	sadd.s32 $0x40, s12;
	v2 =	vld [tilespmem:s11+$0x0]  }
0x25: {  	p0 =	slt.u32 s29, $0x186A0;
	vm1 =	vmmov vm0  }
0x26: {  	vm1 =	vmneg @p0 vm1;
	_ =	sdelay $0x5  }
0x27: {  	[tilespmem:v2+s8+$0x0] =	vst.idx.add.f32.msk vm1, v1  }
0x28: {  	s30 =	sadd.s32 $0x50, s12;
	v2 =	vld [tilespmem:s11+$0x10]  }
0x29: {  	p0 =	slt.u32 s30, $0x186A0;
	vm1 =	vmmov vm0  }
0x2a: {  	vm1 =	vmneg @p0 vm1;
	_ =	sdelay $0x5  }
0x2b: {  	[tilespmem:v2+s8+$0x0] =	vst.idx.add.f32.msk vm1, v1  }
0x2c: {  	s31 =	sadd.s32 $0x60, s12;
	v2 =	vld [tilespmem:s11+$0x20]  }
0x2d: {  	p0 =	slt.u32 s31, $0x186A0;
	vm1 =	vmmov vm0  }
0x2e: {  	vm1 =	vmneg @p0 vm1;
	_ =	sdelay $0x5  }
0x2f: {  	[tilespmem:v2+s8+$0x0] =	vst.idx.add.f32.msk vm1, v1  }
0x30: {  	s12 =	sadd.s32 $0x70, s12;
	v2 =	vld [tilespmem:s11+$0x30]  }
0x31: {  	p0 =	slt.u32 s12, $0x186A0;
	vm1 =	vmmov vm0  }
0x32: {  	vm1 =	vmneg @p0 vm1  }
0x33: {  	p0 =	sne.s32 s10, $0xC00  }
.Ltmp1:
0x34: {  	_ = 	snop;
	(pc) =	sbr.rel @p0 .LBB2_4-.Ltmp1, $2  }
0x35: {  	_ =	sdelay $0x2  }
0x36: {  	s11 =	sadd.s32 $0x80, s11;
	s10 =	sadd.s32 $0x80, s10;
	[tilespmem:v2+s8+$0x0] =	vst.idx.add.f32.msk vm1, v1  }
0x37: {  	s9 =	sadd.s32 $0x1, s9  }
0x38: {  	p0 =	sne.s32 s9, s5  }
.Ltmp2:
0x39: {  	_ = 	snop;
	(pc) =	sbr.rel @p0 .LBB2_1-.Ltmp2, $4  }
0x3a: {  	[hbm4b:s4+s2] =	stream.linear.scatter [tilespmem:s8], [sflag:$0x1], $0x5000, $0x38;
	[tilespmem:$0x5C80] =	vst v63  }
0x3b: {  	_ =	swait.ge [sflag:s7], $0x5000  }
0x3c: {  	[sflag:s7] =	ssyncset.done $0x0  }
0x3d: {  	[sflag:s7] =	ssyncadd.s32 $0xFFFFB000  }
0x3e: {  	_ =	sfence.sel $0x180000  }
0x3f: {  	[bflag:$0x0] =	sbarrier.arrive $0xFFFF  }
0x40: {  	p0 =	sne.s32 s0, $0x0;
	_ =	strace $0x90000047  }
0x41: {  	s0 =	sadd.s32 @!p0 $0x100000, s1;
	[bflag:$0x2] =	sbarrier.arrive $0xFFFF  }
0x42: {  	[sflag:s0] =	ssyncadd.tile.s32 @!p0 $0x1;
	_ =	shalt  }
.Lfunc_end2:
_tile_overlayer_lowered:
.L_overlay_start_2:
0x43: {  	(tag) =	ssettag $0x2  }
0x44: {  	s0 =	rddreg [dreg:$0x0];
	s2 =	stileid.u32  }
0x45: {  	s1 =	rddreg [dreg:$0x1];
	p0 =	sne.s32 s2, $0x0  }
0x46: {  	s3 =	rddreg [dreg:$0x2];
	[bflag:$0x3] =	sbarrier.arrive $0xFFFF;
	s2 =	simm.s32 @!p0 $0x1C01  }
0x47: {  	[timem:s3], [sflag:s2] =	dma.local @!p0 [hbm:s0], s1  }
0x48: {  	s0 =	simm.s32 @!p0 $0x1  }
0x49: {  	_ =	swait.ge @!p0 [sflag:s0], s1  }
0x4a: {  	s1 =	ssub.s32 @!p0 $0x0, s1;
	[sflag:s0] =	ssyncset.done @!p0 $0x0  }
0x4b: {  	[sflag:s0] =	ssyncadd.s32 @!p0 s1  }
0x4c: {  	[bflag:$0x3] =	sbarrier.arrive $0xFFFF  }
0x4d: {  	_ =	shalt  }

</sc_bundles>
